<compile_context>
chip_gen: v7x
topology: tpu7x:2x2x1
jax: 0.10.2.dev20260603
libtpu: 0.0.44.dev20260713+nightly
codegen_flags: <defaults>
</compile_context>

<pallas_src>
import functools

import jax
import jax.numpy as jnp
from jax import lax
from jax.experimental import pallas as pl
from jax.experimental.pallas import tpu as pltpu
from jax.experimental.pallas import tpu_sc as plsc

_CUTOFF = 10.0
_CUTON = 2.5
_KE = 14.399645351950548

_N_NODES = 100000
_N_EDGES = 6400000

_NC = 2
_NS = 16
_NW = _NC * _NS
_E_PER_W = _N_EDGES // _NW
_CHUNK = 2000
_N_CHUNKS = _E_PER_W // _CHUNK
_L = 16

_TC_BLK = 25600


def _gather_kernel(dist_hbm, chg_hbm, idxu_hbm, idxv_hbm, dipf_hbm,
                   r1_hbm, gx_hbm, gy_hbm, gz_hbm,
                   chg_v,
                   idxu_v, idxv_v, dist_v,
                   iu3x_v, iu3y_v, iu3z_v,
                   dxi_v, dyi_v, dzi_v,
                   r1_v, gx_v, gy_v, gz_v,
                   sem2, sem3, sem4):
    wid = lax.axis_index("s") * _NC + lax.axis_index("c")
    wbase = wid * _E_PER_W
    pltpu.sync_copy(chg_hbm, chg_v)

    c2 = jnp.float32(_CUTOFF * _CUTOFF)
    on2 = jnp.float32(_CUTON * _CUTON)
    inv_den = jnp.float32(1.0 / (_CUTOFF**2 - _CUTON**2) ** 3)
    ke = jnp.float32(_KE)
    one = jnp.float32(1.0)
    zero = jnp.float32(0.0)
    cuton = jnp.float32(_CUTON)
    cutoff = jnp.float32(_CUTOFF)
    three = jnp.full((_L,), 3, jnp.int32)

    def chunk_body(ci, _):
        base = wbase + ci * _CHUNK
        pltpu.sync_copy(idxu_hbm.at[pl.ds(base, _CHUNK)], idxu_v)
        pltpu.sync_copy(idxv_hbm.at[pl.ds(base, _CHUNK)], idxv_v)
        pltpu.sync_copy(dist_hbm.at[pl.ds(base, _CHUNK)], dist_v)

        @plsc.parallel_loop(0, _CHUNK // _L, unroll=4)
        def idx_body(k):
            s = k * _L
            u3 = idxu_v[pl.ds(s, _L)] * three
            iu3x_v[pl.ds(s, _L)] = u3
            iu3y_v[pl.ds(s, _L)] = u3 + 1
            iu3z_v[pl.ds(s, _L)] = u3 + 2

        cp2 = pltpu.async_copy(dipf_hbm.at[iu3x_v], dxi_v, sem2)
        cp3 = pltpu.async_copy(dipf_hbm.at[iu3y_v], dyi_v, sem3)
        cp4 = pltpu.async_copy(dipf_hbm.at[iu3z_v], dzi_v, sem4)
        cp2.wait()
        cp3.wait()
        cp4.wait()

        @plsc.parallel_loop(0, _CHUNK // _L, unroll=4)
        def vec_body(k):
            s = k * _L
            d = dist_v[pl.ds(s, _L)]
            qi = plsc.load_gather(chg_v, [idxu_v[pl.ds(s, _L)]])
            qj = plsc.load_gather(chg_v, [idxv_v[pl.ds(s, _L)]])
            dx = dxi_v[pl.ds(s, _L)]
            dy = dyi_v[pl.ds(s, _L)]
            dz = dzi_v[pl.ds(s, _L)]

            chi = one / d
            chi2 = chi * chi
            d2 = d * d
            t = c2 - d2
            sw = t * t * (c2 + jnp.float32(2.0) * d2 - jnp.float32(3.0) * on2) * inv_den
            sw = jnp.where(d < cuton, one, jnp.where(d > cutoff, zero, sw))
            f = ke * sw
            r1_v[pl.ds(s, _L)] = f * qi * qj * chi
            g = f * qj * chi * chi2
            gx_v[pl.ds(s, _L)] = g * dx
            gy_v[pl.ds(s, _L)] = g * dy
            gz_v[pl.ds(s, _L)] = g * dz

        pltpu.sync_copy(r1_v, r1_hbm.at[pl.ds(base, _CHUNK)])
        pltpu.sync_copy(gx_v, gx_hbm.at[pl.ds(base, _CHUNK)])
        pltpu.sync_copy(gy_v, gy_hbm.at[pl.ds(base, _CHUNK)])
        pltpu.sync_copy(gz_v, gz_hbm.at[pl.ds(base, _CHUNK)])
        return 0

    lax.fori_loop(0, _N_CHUNKS, chunk_body, 0, unroll=False)


def _tc_body(vx_ref, vy_ref, vz_ref, r1_ref, gx_ref, gy_ref, gz_ref, out_ref):
    out_ref[...] = (r1_ref[...] + vx_ref[...] * gx_ref[...]
                    + vy_ref[...] * gy_ref[...] + vz_ref[...] * gz_ref[...])


@jax.jit
def _run(distances, charges, idxu, idxv, vectors, dipoles):
    dipf = dipoles.reshape(-1)
    mesh = plsc.VectorSubcoreMesh(core_axis_name="c", subcore_axis_name="s")
    edge_f32 = jax.ShapeDtypeStruct((_N_EDGES,), jnp.float32)
    sc = pl.kernel(
        _gather_kernel,
        out_type=(edge_f32, edge_f32, edge_f32, edge_f32),
        mesh=mesh,
        compiler_params=pltpu.CompilerParams(needs_layout_passes=False),
        scratch_types=[
            pltpu.VMEM((_N_NODES,), jnp.float32),
            pltpu.VMEM((_CHUNK,), jnp.int32),
            pltpu.VMEM((_CHUNK,), jnp.int32),
            pltpu.VMEM((_CHUNK,), jnp.float32),
            pltpu.VMEM((_CHUNK,), jnp.int32),
            pltpu.VMEM((_CHUNK,), jnp.int32),
            pltpu.VMEM((_CHUNK,), jnp.int32),
            pltpu.VMEM((_CHUNK,), jnp.float32),
            pltpu.VMEM((_CHUNK,), jnp.float32),
            pltpu.VMEM((_CHUNK,), jnp.float32),
            pltpu.VMEM((_CHUNK,), jnp.float32),
            pltpu.VMEM((_CHUNK,), jnp.float32),
            pltpu.VMEM((_CHUNK,), jnp.float32),
            pltpu.VMEM((_CHUNK,), jnp.float32),
            pltpu.SemaphoreType.DMA,
            pltpu.SemaphoreType.DMA,
            pltpu.SemaphoreType.DMA,
        ],
    )
    r1, gx, gy, gz = sc(distances, charges, idxu, idxv, dipf)

    grid = (_N_EDGES // _TC_BLK,)
    spec1d = pl.BlockSpec((_TC_BLK,), lambda i: (i,))
    out = pl.pallas_call(
        _tc_body,
        grid=grid,
        in_specs=[spec1d] * 7,
        out_specs=spec1d,
        out_shape=edge_f32,
    )(vectors[:, 0], vectors[:, 1], vectors[:, 2], r1, gx, gy, gz)
    return out


def kernel(mlmm_distances, mlmm_atomic_charges, mlmm_idxu, mlmm_idxv,
           mlmm_vectors, atomic_dipoles):
    return _run(mlmm_distances, mlmm_atomic_charges, mlmm_idxu, mlmm_idxv,
                mlmm_vectors, atomic_dipoles)

# --- scband reference (transcript-rebuilt; emitter-appended) ---
"""Pipeline reference for scband-mlmm-electrostatics-no-shift-5214090297979 (READ-ONLY COPY).

The authoritative reference and input builder live on the scoring server;
editing this copy changes nothing except your own understanding.
"""

import jax, jax.numpy as jnp
import numpy as np

CUTOFF = 10.0
CUTON = 2.5
KE = 14.399645351950548
N_NODES = 100000
N_EDGES = 6400000


def switch_fn(d):
    # CHARMM-style switching function: 1 below cuton, 0 above cutoff,
    # smooth polynomial in between.
    c2 = CUTOFF ** 2
    on2 = CUTON ** 2
    d2 = d * d
    sw = ((c2 - d2) ** 2 * (c2 + 2.0 * d2 - 3.0 * on2)) / (c2 - on2) ** 3
    return jnp.where(d < CUTON, 1.0, jnp.where(d > CUTOFF, 0.0, sw))


def setup_inputs(seed: int = 0) -> dict:
    key = jax.random.key(seed)
    k1, k2, k3, k4, k5, k6 = jax.random.split(key, 6)
    # distances strictly positive in (0.5, 10.0) to avoid 1/0
    mlmm_distances = jax.random.uniform(k1, (N_EDGES,), dtype=jnp.float32) * 9.5 + 0.5
    mlmm_atomic_charges = jax.random.normal(k2, (N_NODES,), dtype=jnp.float32)
    mlmm_idxu = jax.random.randint(k3, (N_EDGES,), 0, N_NODES, dtype=jnp.int32)
    mlmm_idxv = jax.random.randint(k4, (N_EDGES,), 0, N_NODES, dtype=jnp.int32)
    mlmm_vectors = jax.random.normal(k5, (N_EDGES, 3), dtype=jnp.float32)
    atomic_dipoles = jax.random.normal(k6, (N_NODES, 3), dtype=jnp.float32)
    return {
        'mlmm_distances': mlmm_distances,
        'mlmm_atomic_charges': mlmm_atomic_charges,
        'mlmm_idxu': mlmm_idxu,
        'mlmm_idxv': mlmm_idxv,
        'mlmm_vectors': mlmm_vectors,
        'atomic_dipoles': atomic_dipoles,
    }


def reference(mlmm_distances, mlmm_atomic_charges, mlmm_idxu, mlmm_idxv, mlmm_vectors, atomic_dipoles):
    distances = mlmm_distances
    chi = 1.0 / distances
    # gathers (SparseCore-friendly)
    atomic_charges_i = jnp.take(mlmm_atomic_charges, mlmm_idxu, axis=0)
    atomic_charges_j = jnp.take(mlmm_atomic_charges, mlmm_idxv, axis=0)
    Eelec = atomic_charges_i * atomic_charges_j * chi
    # atomic_dipoles branch (atomic_dipoles=True)
    chi2 = chi ** 2
    chi_vectors = mlmm_vectors / distances[:, None]
    atomic_dipoles_i = jnp.take(atomic_dipoles, mlmm_idxu, axis=0)
    dot_ji = jnp.sum(chi_vectors * atomic_dipoles_i, axis=1)
    Eelec = Eelec + atomic_charges_j * dot_ji * chi2
    Eelec = KE * Eelec
    Eelec = Eelec * switch_fn(distances)
    return Eelec

if __name__ == "__main__":
    import jax
    _d = setup_inputs()
    print(jax.jit(kernel)(*tuple(_d.values())))

</pallas_src>

<mosaic_0001>
#map = affine_map<(d0, d1) -> (0)>
module attributes {stable_mosaic.version = 14 : i64} {
  func.func @_gather_kernel(%arg0: i32, %arg1: i32, %arg2: memref<6400000xf32, #tpu.memory_space<hbm>>, %arg3: memref<100000xf32, #tpu.memory_space<hbm>>, %arg4: memref<6400000xi32, #tpu.memory_space<hbm>>, %arg5: memref<6400000xi32, #tpu.memory_space<hbm>>, %arg6: memref<300000xf32, #tpu.memory_space<hbm>>, %arg7: memref<6400000xf32, #tpu.memory_space<hbm>>, %arg8: memref<6400000xf32, #tpu.memory_space<hbm>>, %arg9: memref<6400000xf32, #tpu.memory_space<hbm>>, %arg10: memref<6400000xf32, #tpu.memory_space<hbm>>, %arg11: memref<100000xf32, #tpu.memory_space<vmem>>, %arg12: memref<2000xi32, #tpu.memory_space<vmem>>, %arg13: memref<2000xi32, #tpu.memory_space<vmem>>, %arg14: memref<2000xf32, #tpu.memory_space<vmem>>, %arg15: memref<2000xi32, #tpu.memory_space<vmem>>, %arg16: memref<2000xi32, #tpu.memory_space<vmem>>, %arg17: memref<2000xi32, #tpu.memory_space<vmem>>, %arg18: memref<2000xf32, #tpu.memory_space<vmem>>, %arg19: memref<2000xf32, #tpu.memory_space<vmem>>, %arg20: memref<2000xf32, #tpu.memory_space<vmem>>, %arg21: memref<2000xf32, #tpu.memory_space<vmem>>, %arg22: memref<2000xf32, #tpu.memory_space<vmem>>, %arg23: memref<2000xf32, #tpu.memory_space<vmem>>, %arg24: memref<2000xf32, #tpu.memory_space<vmem>>, %arg25: memref<!tpu.dma_semaphore, #tpu.memory_space<semaphore_mem>>, %arg26: memref<!tpu.dma_semaphore, #tpu.memory_space<semaphore_mem>>, %arg27: memref<!tpu.dma_semaphore, #tpu.memory_space<semaphore_mem>>) attributes {dimension_semantics = [#tpu.dimension_semantics<core_parallel>, #tpu.dimension_semantics<subcore_parallel>], iteration_bounds = array<i64: 2, 16>, scalar_prefetch = 0 : i64, scratch_operands = 17 : i64, tpu.core_type = #tpu.core_type<sc_vector_subcore>, window_params = [{transform_indices = #map}, {transform_indices = #map}, {transform_indices = #map}, {transform_indices = #map}, {transform_indices = #map}, {transform_indices = #map}, {transform_indices = #map}, {transform_indices = #map}, {transform_indices = #map}]} {
    %mul3A = arith.constant 2 : i32
    %mul3A_0 = arith.muli %arg1, %mul3A : i32
    %add3A = arith.addi %mul3A_0, %arg0 : i32
    %mul3A_1 = arith.constant 200000 : i32
    %mul3A_2 = arith.muli %add3A, %mul3A_1 : i32
    "tpu.region"() ({
      %run_scoped3A = tpu.sem_alloc : memref<!tpu.dma_semaphore, #tpu.memory_space<semaphore_mem>>
      tpu.enqueue_dma source(%arg3 : memref<100000xf32, #tpu.memory_space<hbm>>) target(%arg11 : memref<100000xf32, #tpu.memory_space<vmem>>) target_semaphore(%run_scoped3A : memref<!tpu.dma_semaphore, #tpu.memory_space<semaphore_mem>>)
      tpu.wait_dma2 semaphore(%run_scoped3A : memref<!tpu.dma_semaphore, #tpu.memory_space<semaphore_mem>>) src(%arg3 : memref<100000xf32, #tpu.memory_space<hbm>>) dst(%arg11 : memref<100000xf32, #tpu.memory_space<vmem>>)
      tpu.yield
    }) : () -> ()
    %broadcast_in_dim3A = arith.constant 3 : i32
    %broadcast_in_dim3A_3 = vector.broadcast %broadcast_in_dim3A : i32 to vector<16xi32>
    %scan3A = arith.constant 1.000000e+00 : f32
    %scan3A_4 = arith.constant 1.000000e+02 : f32
    %scan3A_5 = arith.constant 6.250000e+00 : f32
    %scan3A_6 = arith.constant 1.21362962E-6 : f32
    %scan3A_7 = arith.constant 2.500000e+00 : f32
    %scan3A_8 = arith.constant 1.000000e+01 : f32
    %scan3A_9 = arith.constant 0.000000e+00 : f32
    %scan3A_10 = arith.constant 14.3996458 : f32
    %scan3A_11 = arith.constant 0 : i32
    %scan3A_12 = arith.constant 0 : i32
    %scan3A_13 = arith.constant 100 : i32
    %scan3A_14 = arith.addi %scan3A_12, %scan3A_13 : i32
    %scan3A_15 = arith.constant 1 : i32
    %scan3A_16 = scf.for %scan3A_18 = %scan3A_12 to %scan3A_14 step %scan3A_15 iter_args(%scan3A_19 = %scan3A_11) -> (i32)  : i32 {
      %mul3A_20 = arith.constant 2000 : i32
      %mul3A_21 = arith.muli %scan3A_18, %mul3A_20 : i32
      %add3A_22 = arith.addi %mul3A_2, %mul3A_21 : i32
      "tpu.region"() ({
        %run_scoped3A = tpu.sem_alloc : memref<!tpu.dma_semaphore, #tpu.memory_space<semaphore_mem>>
        %dma_start3A_39 = tpu.memref_slice %arg4[%add3A_22] : memref<6400000xi32, #tpu.memory_space<hbm>> -> memref<2000xi32, #tpu.memory_space<hbm>>
        %dma_start3A_40 = tpu.memref_slice %arg4[%add3A_22] : memref<6400000xi32, #tpu.memory_space<hbm>> -> memref<2000xi32, #tpu.memory_space<hbm>>
        tpu.enqueue_dma source(%dma_start3A_40 : memref<2000xi32, #tpu.memory_space<hbm>>) target(%arg12 : memref<2000xi32, #tpu.memory_space<vmem>>) target_semaphore(%run_scoped3A : memref<!tpu.dma_semaphore, #tpu.memory_space<semaphore_mem>>)
        %dma_wait3A_41 = tpu.memref_slice %arg4[%add3A_22] : memref<6400000xi32, #tpu.memory_space<hbm>> -> memref<2000xi32, #tpu.memory_space<hbm>>
        %dma_wait3A_42 = tpu.memref_slice %arg4[%add3A_22] : memref<6400000xi32, #tpu.memory_space<hbm>> -> memref<2000xi32, #tpu.memory_space<hbm>>
        tpu.wait_dma2 semaphore(%run_scoped3A : memref<!tpu.dma_semaphore, #tpu.memory_space<semaphore_mem>>) src(%dma_wait3A_42 : memref<2000xi32, #tpu.memory_space<hbm>>) dst(%arg12 : memref<2000xi32, #tpu.memory_space<vmem>>)
        tpu.yield
      }) : () -> ()
      "tpu.region"() ({
        %run_scoped3A = tpu.sem_alloc : memref<!tpu.dma_semaphore, #tpu.memory_space<semaphore_mem>>
        %dma_start3A_39 = tpu.memref_slice %arg5[%add3A_22] : memref<6400000xi32, #tpu.memory_space<hbm>> -> memref<2000xi32, #tpu.memory_space<hbm>>
        %dma_start3A_40 = tpu.memref_slice %arg5[%add3A_22] : memref<6400000xi32, #tpu.memory_space<hbm>> -> memref<2000xi32, #tpu.memory_space<hbm>>
        tpu.enqueue_dma source(%dma_start3A_40 : memref<2000xi32, #tpu.memory_space<hbm>>) target(%arg13 : memref<2000xi32, #tpu.memory_space<vmem>>) target_semaphore(%run_scoped3A : memref<!tpu.dma_semaphore, #tpu.memory_space<semaphore_mem>>)
        %dma_wait3A_41 = tpu.memref_slice %arg5[%add3A_22] : memref<6400000xi32, #tpu.memory_space<hbm>> -> memref<2000xi32, #tpu.memory_space<hbm>>
        %dma_wait3A_42 = tpu.memref_slice %arg5[%add3A_22] : memref<6400000xi32, #tpu.memory_space<hbm>> -> memref<2000xi32, #tpu.memory_space<hbm>>
        tpu.wait_dma2 semaphore(%run_scoped3A : memref<!tpu.dma_semaphore, #tpu.memory_space<semaphore_mem>>) src(%dma_wait3A_42 : memref<2000xi32, #tpu.memory_space<hbm>>) dst(%arg13 : memref<2000xi32, #tpu.memory_space<vmem>>)
        tpu.yield
      }) : () -> ()
      "tpu.region"() ({
        %run_scoped3A = tpu.sem_alloc : memref<!tpu.dma_semaphore, #tpu.memory_space<semaphore_mem>>
        %dma_start3A_39 = tpu.memref_slice %arg2[%add3A_22] : memref<6400000xf32, #tpu.memory_space<hbm>> -> memref<2000xf32, #tpu.memory_space<hbm>>
        %dma_start3A_40 = tpu.memref_slice %arg2[%add3A_22] : memref<6400000xf32, #tpu.memory_space<hbm>> -> memref<2000xf32, #tpu.memory_space<hbm>>
        tpu.enqueue_dma source(%dma_start3A_40 : memref<2000xf32, #tpu.memory_space<hbm>>) target(%arg14 : memref<2000xf32, #tpu.memory_space<vmem>>) target_semaphore(%run_scoped3A : memref<!tpu.dma_semaphore, #tpu.memory_space<semaphore_mem>>)
        %dma_wait3A_41 = tpu.memref_slice %arg2[%add3A_22] : memref<6400000xf32, #tpu.memory_space<hbm>> -> memref<2000xf32, #tpu.memory_space<hbm>>
        %dma_wait3A_42 = tpu.memref_slice %arg2[%add3A_22] : memref<6400000xf32, #tpu.memory_space<hbm>> -> memref<2000xf32, #tpu.memory_space<hbm>>
        tpu.wait_dma2 semaphore(%run_scoped3A : memref<!tpu.dma_semaphore, #tpu.memory_space<semaphore_mem>>) src(%dma_wait3A_42 : memref<2000xf32, #tpu.memory_space<hbm>>) dst(%arg14 : memref<2000xf32, #tpu.memory_space<vmem>>)
        tpu.yield
      }) : () -> ()
      %parallel_loop3A = arith.constant 0 : i32
      %parallel_loop3A_23 = arith.constant 125 : i32
      %parallel_loop3A_24 = arith.constant 1 : i32
      scf.for %parallel_loop3A_39 = %parallel_loop3A to %parallel_loop3A_23 step %parallel_loop3A_24  : i32 {
        %parallel_loop3A_40 = arith.constant 16 : i32
        %parallel_loop3A_41 = arith.muli %parallel_loop3A_39, %parallel_loop3A_40 : i32
        %parallel_loop3A_42 = arith.index_cast %parallel_loop3A_41 : i32 to index
        %parallel_loop3A_43 = tpu.vector_load %arg12[%parallel_loop3A_42] {strides = array<i32>} : memref<2000xi32, #tpu.memory_space<vmem>>, vector<16xi32>,
        %parallel_loop3A_44 = arith.muli %parallel_loop3A_43, %broadcast_in_dim3A_3 : vector<16xi32>
        %parallel_loop3A_45 = arith.index_cast %parallel_loop3A_41 : i32 to index
        %parallel_loop3A_46 = tpu.vector_load %arg15[%parallel_loop3A_45] {strides = array<i32>} : memref<2000xi32, #tpu.memory_space<vmem>>, vector<16xi32>,
        tpu.vector_store %arg15[%parallel_loop3A_45], %parallel_loop3A_44 {strides = array<i32>} : memref<2000xi32, #tpu.memory_space<vmem>>, vector<16xi32>,
        %parallel_loop3A_47 = arith.constant 1 : i32
        %parallel_loop3A_48 = vector.broadcast %parallel_loop3A_47 : i32 to vector<16xi32>
        %parallel_loop3A_49 = arith.addi %parallel_loop3A_44, %parallel_loop3A_48 : vector<16xi32>
        %parallel_loop3A_50 = arith.index_cast %parallel_loop3A_41 : i32 to index
        %parallel_loop3A_51 = tpu.vector_load %arg16[%parallel_loop3A_50] {strides = array<i32>} : memref<2000xi32, #tpu.memory_space<vmem>>, vector<16xi32>,
        tpu.vector_store %arg16[%parallel_loop3A_50], %parallel_loop3A_49 {strides = array<i32>} : memref<2000xi32, #tpu.memory_space<vmem>>, vector<16xi32>,
        %parallel_loop3A_52 = arith.constant 2 : i32
        %parallel_loop3A_53 = vector.broadcast %parallel_loop3A_52 : i32 to vector<16xi32>
        %parallel_loop3A_54 = arith.addi %parallel_loop3A_44, %parallel_loop3A_53 : vector<16xi32>
        %parallel_loop3A_55 = arith.index_cast %parallel_loop3A_41 : i32 to index
        %parallel_loop3A_56 = tpu.vector_load %arg17[%parallel_loop3A_55] {strides = array<i32>} : memref<2000xi32, #tpu.memory_space<vmem>>, vector<16xi32>,
        tpu.vector_store %arg17[%parallel_loop3A_55], %parallel_loop3A_54 {strides = array<i32>} : memref<2000xi32, #tpu.memory_space<vmem>>, vector<16xi32>,
      } {sc.loop_unroll_factor = 4 : i64, sc.parallel_access}
      %dma_start3A = arith.constant 0 : i32
      %dma_start3A_25 = tpu.memref_slice %arg6[%dma_start3A] : memref<300000xf32, #tpu.memory_space<hbm>> -> memref<300000xf32, #tpu.memory_space<hbm>>
      tpu.enqueue_indirect_dma source(%dma_start3A_25 : memref<300000xf32, #tpu.memory_space<hbm>>) target(%arg18 : memref<2000xf32, #tpu.memory_space<vmem>>) offsets(%arg15 : memref<2000xi32, #tpu.memory_space<vmem>>) semaphore(%arg25 : memref<!tpu.dma_semaphore, #tpu.memory_space<semaphore_mem>>)
      %dma_start3A_26 = arith.constant 0 : i32
      %dma_start3A_27 = tpu.memref_slice %arg6[%dma_start3A_26] : memref<300000xf32, #tpu.memory_space<hbm>> -> memref<300000xf32, #tpu.memory_space<hbm>>
      tpu.enqueue_indirect_dma source(%dma_start3A_27 : memref<300000xf32, #tpu.memory_space<hbm>>) target(%arg19 : memref<2000xf32, #tpu.memory_space<vmem>>) offsets(%arg16 : memref<2000xi32, #tpu.memory_space<vmem>>) semaphore(%arg26 : memref<!tpu.dma_semaphore, #tpu.memory_space<semaphore_mem>>)
      %dma_start3A_28 = arith.constant 0 : i32
      %dma_start3A_29 = tpu.memref_slice %arg6[%dma_start3A_28] : memref<300000xf32, #tpu.memory_space<hbm>> -> memref<300000xf32, #tpu.memory_space<hbm>>
      tpu.enqueue_indirect_dma source(%dma_start3A_29 : memref<300000xf32, #tpu.memory_space<hbm>>) target(%arg20 : memref<2000xf32, #tpu.memory_space<vmem>>) offsets(%arg17 : memref<2000xi32, #tpu.memory_space<vmem>>) semaphore(%arg27 : memref<!tpu.dma_semaphore, #tpu.memory_space<semaphore_mem>>)
      %dma_wait3A = arith.constant 0 : i32
      %dma_wait3A_30 = tpu.memref_slice %arg6[%dma_wait3A] : memref<300000xf32, #tpu.memory_space<hbm>> -> memref<300000xf32, #tpu.memory_space<hbm>>
      tpu.wait_indirect_dma semaphore(%arg25 : memref<!tpu.dma_semaphore, #tpu.memory_space<semaphore_mem>>) src(%dma_wait3A_30 : memref<300000xf32, #tpu.memory_space<hbm>>) dst(%arg18 : memref<2000xf32, #tpu.memory_space<vmem>>)
      %dma_wait3A_31 = arith.constant 0 : i32
      %dma_wait3A_32 = tpu.memref_slice %arg6[%dma_wait3A_31] : memref<300000xf32, #tpu.memory_space<hbm>> -> memref<300000xf32, #tpu.memory_space<hbm>>
      tpu.wait_indirect_dma semaphore(%arg26 : memref<!tpu.dma_semaphore, #tpu.memory_space<semaphore_mem>>) src(%dma_wait3A_32 : memref<300000xf32, #tpu.memory_space<hbm>>) dst(%arg19 : memref<2000xf32, #tpu.memory_space<vmem>>)
      %dma_wait3A_33 = arith.constant 0 : i32
      %dma_wait3A_34 = tpu.memref_slice %arg6[%dma_wait3A_33] : memref<300000xf32, #tpu.memory_space<hbm>> -> memref<300000xf32, #tpu.memory_space<hbm>>
      tpu.wait_indirect_dma semaphore(%arg27 : memref<!tpu.dma_semaphore, #tpu.memory_space<semaphore_mem>>) src(%dma_wait3A_34 : memref<300000xf32, #tpu.memory_space<hbm>>) dst(%arg20 : memref<2000xf32, #tpu.memory_space<vmem>>)
      %parallel_loop3A_35 = arith.constant 0 : i32
      %parallel_loop3A_36 = arith.constant 125 : i32
      %parallel_loop3A_37 = arith.constant 1 : i32
      scf.for %parallel_loop3A_39 = %parallel_loop3A_35 to %parallel_loop3A_36 step %parallel_loop3A_37  : i32 {
        %parallel_loop3A_40 = arith.constant 16 : i32
        %parallel_loop3A_41 = arith.muli %parallel_loop3A_39, %parallel_loop3A_40 : i32
        %parallel_loop3A_42 = arith.index_cast %parallel_loop3A_41 : i32 to index
        %parallel_loop3A_43 = tpu.vector_load %arg14[%parallel_loop3A_42] {strides = array<i32>} : memref<2000xf32, #tpu.memory_space<vmem>>, vector<16xf32>,
        %parallel_loop3A_44 = arith.index_cast %parallel_loop3A_41 : i32 to index
        %parallel_loop3A_45 = tpu.vector_load %arg12[%parallel_loop3A_44] {strides = array<i32>} : memref<2000xi32, #tpu.memory_space<vmem>>, vector<16xi32>,
        %parallel_loop3A_46 = tpu.vector_load_idx %arg11[%parallel_loop3A_45] : memref<100000xf32, #tpu.memory_space<vmem>>[vector<16xi32>], vector<16xf32>,
        %parallel_loop3A_47 = arith.index_cast %parallel_loop3A_41 : i32 to index
        %parallel_loop3A_48 = tpu.vector_load %arg13[%parallel_loop3A_47] {strides = array<i32>} : memref<2000xi32, #tpu.memory_space<vmem>>, vector<16xi32>,
        %parallel_loop3A_49 = tpu.vector_load_idx %arg11[%parallel_loop3A_48] : memref<100000xf32, #tpu.memory_space<vmem>>[vector<16xi32>], vector<16xf32>,
        %parallel_loop3A_50 = arith.index_cast %parallel_loop3A_41 : i32 to index
        %parallel_loop3A_51 = tpu.vector_load %arg18[%parallel_loop3A_50] {strides = array<i32>} : memref<2000xf32, #tpu.memory_space<vmem>>, vector<16xf32>,
        %parallel_loop3A_52 = arith.index_cast %parallel_loop3A_41 : i32 to index
        %parallel_loop3A_53 = tpu.vector_load %arg19[%parallel_loop3A_52] {strides = array<i32>} : memref<2000xf32, #tpu.memory_space<vmem>>, vector<16xf32>,
        %parallel_loop3A_54 = arith.index_cast %parallel_loop3A_41 : i32 to index
        %parallel_loop3A_55 = tpu.vector_load %arg20[%parallel_loop3A_54] {strides = array<i32>} : memref<2000xf32, #tpu.memory_space<vmem>>, vector<16xf32>,
        %parallel_loop3A_56 = vector.broadcast %scan3A : f32 to vector<16xf32>
        %parallel_loop3A_57 = arith.divf %parallel_loop3A_56, %parallel_loop3A_43 : vector<16xf32>
        %parallel_loop3A_58 = arith.mulf %parallel_loop3A_57, %parallel_loop3A_57 : vector<16xf32>
        %parallel_loop3A_59 = arith.mulf %parallel_loop3A_43, %parallel_loop3A_43 : vector<16xf32>
        %parallel_loop3A_60 = vector.broadcast %scan3A_4 : f32 to vector<16xf32>
        %parallel_loop3A_61 = arith.subf %parallel_loop3A_60, %parallel_loop3A_59 : vector<16xf32>
        %parallel_loop3A_62 = arith.mulf %parallel_loop3A_61, %parallel_loop3A_61 : vector<16xf32>
        %parallel_loop3A_63 = arith.constant 2.000000e+00 : f32
        %parallel_loop3A_64 = vector.broadcast %parallel_loop3A_63 : f32 to vector<16xf32>
        %parallel_loop3A_65 = arith.mulf %parallel_loop3A_64, %parallel_loop3A_59 : vector<16xf32>
        %parallel_loop3A_66 = vector.broadcast %scan3A_4 : f32 to vector<16xf32>
        %parallel_loop3A_67 = arith.addf %parallel_loop3A_66, %parallel_loop3A_65 : vector<16xf32>
        %parallel_loop3A_68 = arith.constant 3.000000e+00 : f32
        %parallel_loop3A_69 = arith.mulf %parallel_loop3A_68, %scan3A_5 : f32
        %parallel_loop3A_70 = vector.broadcast %parallel_loop3A_69 : f32 to vector<16xf32>
        %parallel_loop3A_71 = arith.subf %parallel_loop3A_67, %parallel_loop3A_70 : vector<16xf32>
        %parallel_loop3A_72 = arith.mulf %parallel_loop3A_62, %parallel_loop3A_71 : vector<16xf32>
        %parallel_loop3A_73 = vector.broadcast %scan3A_6 : f32 to vector<16xf32>
        %parallel_loop3A_74 = arith.mulf %parallel_loop3A_72, %parallel_loop3A_73 : vector<16xf32>
        %parallel_loop3A_75 = vector.broadcast %scan3A_7 : f32 to vector<16xf32>
        %parallel_loop3A_76 = arith.cmpf olt, %parallel_loop3A_43, %parallel_loop3A_75 : vector<16xf32>
        %parallel_loop3A_77 = vector.broadcast %scan3A_8 : f32 to vector<16xf32>
        %parallel_loop3A_78 = arith.cmpf ogt, %parallel_loop3A_43, %parallel_loop3A_77 : vector<16xf32>
        %parallel_loop3A_79 = vector.broadcast %scan3A_9 : f32 to vector<16xf32>
        %parallel_loop3A_80 = arith.select %parallel_loop3A_78, %parallel_loop3A_79, %parallel_loop3A_74 : vector<16xi1>, vector<16xf32>
        %parallel_loop3A_81 = vector.broadcast %scan3A : f32 to vector<16xf32>
        %parallel_loop3A_82 = arith.select %parallel_loop3A_76, %parallel_loop3A_81, %parallel_loop3A_80 : vector<16xi1>, vector<16xf32>
        %parallel_loop3A_83 = vector.broadcast %scan3A_10 : f32 to vector<16xf32>
        %parallel_loop3A_84 = arith.mulf %parallel_loop3A_83, %parallel_loop3A_82 : vector<16xf32>
        %parallel_loop3A_85 = arith.mulf %parallel_loop3A_84, %parallel_loop3A_46 : vector<16xf32>
        %parallel_loop3A_86 = arith.mulf %parallel_loop3A_85, %parallel_loop3A_49 : vector<16xf32>
        %parallel_loop3A_87 = arith.mulf %parallel_loop3A_86, %parallel_loop3A_57 : vector<16xf32>
        %parallel_loop3A_88 = arith.index_cast %parallel_loop3A_41 : i32 to index
        %parallel_loop3A_89 = tpu.vector_load %arg21[%parallel_loop3A_88] {strides = array<i32>} : memref<2000xf32, #tpu.memory_space<vmem>>, vector<16xf32>,
        tpu.vector_store %arg21[%parallel_loop3A_88], %parallel_loop3A_87 {strides = array<i32>} : memref<2000xf32, #tpu.memory_space<vmem>>, vector<16xf32>,
        %parallel_loop3A_90 = arith.mulf %parallel_loop3A_84, %parallel_loop3A_49 : vector<16xf32>
        %parallel_loop3A_91 = arith.mulf %parallel_loop3A_90, %parallel_loop3A_57 : vector<16xf32>
        %parallel_loop3A_92 = arith.mulf %parallel_loop3A_91, %parallel_loop3A_58 : vector<16xf32>
        %parallel_loop3A_93 = arith.mulf %parallel_loop3A_92, %parallel_loop3A_51 : vector<16xf32>
        %parallel_loop3A_94 = arith.index_cast %parallel_loop3A_41 : i32 to index
        %parallel_loop3A_95 = tpu.vector_load %arg22[%parallel_loop3A_94] {strides = array<i32>} : memref<2000xf32, #tpu.memory_space<vmem>>, vector<16xf32>,
        tpu.vector_store %arg22[%parallel_loop3A_94], %parallel_loop3A_93 {strides = array<i32>} : memref<2000xf32, #tpu.memory_space<vmem>>, vector<16xf32>,
        %parallel_loop3A_96 = arith.mulf %parallel_loop3A_92, %parallel_loop3A_53 : vector<16xf32>
        %parallel_loop3A_97 = arith.index_cast %parallel_loop3A_41 : i32 to index
        %parallel_loop3A_98 = tpu.vector_load %arg23[%parallel_loop3A_97] {strides = array<i32>} : memref<2000xf32, #tpu.memory_space<vmem>>, vector<16xf32>,
        tpu.vector_store %arg23[%parallel_loop3A_97], %parallel_loop3A_96 {strides = array<i32>} : memref<2000xf32, #tpu.memory_space<vmem>>, vector<16xf32>,
        %parallel_loop3A_99 = arith.mulf %parallel_loop3A_92, %parallel_loop3A_55 : vector<16xf32>
        %parallel_loop3A_100 = arith.index_cast %parallel_loop3A_41 : i32 to index
        %parallel_loop3A_101 = tpu.vector_load %arg24[%parallel_loop3A_100] {strides = array<i32>} : memref<2000xf32, #tpu.memory_space<vmem>>, vector<16xf32>,
        tpu.vector_store %arg24[%parallel_loop3A_100], %parallel_loop3A_99 {strides = array<i32>} : memref<2000xf32, #tpu.memory_space<vmem>>, vector<16xf32>,
      } {sc.loop_unroll_factor = 4 : i64, sc.parallel_access}
      "tpu.region"() ({
        %run_scoped3A = tpu.sem_alloc : memref<!tpu.dma_semaphore, #tpu.memory_space<semaphore_mem>>
        %dma_start3A_39 = tpu.memref_slice %arg7[%add3A_22] : memref<6400000xf32, #tpu.memory_space<hbm>> -> memref<2000xf32, #tpu.memory_space<hbm>>
        %dma_start3A_40 = tpu.memref_slice %arg7[%add3A_22] : memref<6400000xf32, #tpu.memory_space<hbm>> -> memref<2000xf32, #tpu.memory_space<hbm>>
        tpu.enqueue_dma source(%arg21 : memref<2000xf32, #tpu.memory_space<vmem>>) target(%dma_start3A_40 : memref<2000xf32, #tpu.memory_space<hbm>>) target_semaphore(%run_scoped3A : memref<!tpu.dma_semaphore, #tpu.memory_space<semaphore_mem>>)
        %dma_wait3A_41 = tpu.memref_slice %arg7[%add3A_22] : memref<6400000xf32, #tpu.memory_space<hbm>> -> memref<2000xf32, #tpu.memory_space<hbm>>
        %dma_wait3A_42 = tpu.memref_slice %arg7[%add3A_22] : memref<6400000xf32, #tpu.memory_space<hbm>> -> memref<2000xf32, #tpu.memory_space<hbm>>
        tpu.wait_dma2 semaphore(%run_scoped3A : memref<!tpu.dma_semaphore, #tpu.memory_space<semaphore_mem>>) src(%arg21 : memref<2000xf32, #tpu.memory_space<vmem>>) dst(%dma_wait3A_42 : memref<2000xf32, #tpu.memory_space<hbm>>)
        tpu.yield
      }) : () -> ()
      "tpu.region"() ({
        %run_scoped3A = tpu.sem_alloc : memref<!tpu.dma_semaphore, #tpu.memory_space<semaphore_mem>>
        %dma_start3A_39 = tpu.memref_slice %arg8[%add3A_22] : memref<6400000xf32, #tpu.memory_space<hbm>> -> memref<2000xf32, #tpu.memory_space<hbm>>
        %dma_start3A_40 = tpu.memref_slice %arg8[%add3A_22] : memref<6400000xf32, #tpu.memory_space<hbm>> -> memref<2000xf32, #tpu.memory_space<hbm>>
        tpu.enqueue_dma source(%arg22 : memref<2000xf32, #tpu.memory_space<vmem>>) target(%dma_start3A_40 : memref<2000xf32, #tpu.memory_space<hbm>>) target_semaphore(%run_scoped3A : memref<!tpu.dma_semaphore, #tpu.memory_space<semaphore_mem>>)
        %dma_wait3A_41 = tpu.memref_slice %arg8[%add3A_22] : memref<6400000xf32, #tpu.memory_space<hbm>> -> memref<2000xf32, #tpu.memory_space<hbm>>
        %dma_wait3A_42 = tpu.memref_slice %arg8[%add3A_22] : memref<6400000xf32, #tpu.memory_space<hbm>> -> memref<2000xf32, #tpu.memory_space<hbm>>
        tpu.wait_dma2 semaphore(%run_scoped3A : memref<!tpu.dma_semaphore, #tpu.memory_space<semaphore_mem>>) src(%arg22 : memref<2000xf32, #tpu.memory_space<vmem>>) dst(%dma_wait3A_42 : memref<2000xf32, #tpu.memory_space<hbm>>)
        tpu.yield
      }) : () -> ()
      "tpu.region"() ({
        %run_scoped3A = tpu.sem_alloc : memref<!tpu.dma_semaphore, #tpu.memory_space<semaphore_mem>>
        %dma_start3A_39 = tpu.memref_slice %arg9[%add3A_22] : memref<6400000xf32, #tpu.memory_space<hbm>> -> memref<2000xf32, #tpu.memory_space<hbm>>
        %dma_start3A_40 = tpu.memref_slice %arg9[%add3A_22] : memref<6400000xf32, #tpu.memory_space<hbm>> -> memref<2000xf32, #tpu.memory_space<hbm>>
        tpu.enqueue_dma source(%arg23 : memref<2000xf32, #tpu.memory_space<vmem>>) target(%dma_start3A_40 : memref<2000xf32, #tpu.memory_space<hbm>>) target_semaphore(%run_scoped3A : memref<!tpu.dma_semaphore, #tpu.memory_space<semaphore_mem>>)
        %dma_wait3A_41 = tpu.memref_slice %arg9[%add3A_22] : memref<6400000xf32, #tpu.memory_space<hbm>> -> memref<2000xf32, #tpu.memory_space<hbm>>
        %dma_wait3A_42 = tpu.memref_slice %arg9[%add3A_22] : memref<6400000xf32, #tpu.memory_space<hbm>> -> memref<2000xf32, #tpu.memory_space<hbm>>
        tpu.wait_dma2 semaphore(%run_scoped3A : memref<!tpu.dma_semaphore, #tpu.memory_space<semaphore_mem>>) src(%arg23 : memref<2000xf32, #tpu.memory_space<vmem>>) dst(%dma_wait3A_42 : memref<2000xf32, #tpu.memory_space<hbm>>)
        tpu.yield
      }) : () -> ()
      "tpu.region"() ({
        %run_scoped3A = tpu.sem_alloc : memref<!tpu.dma_semaphore, #tpu.memory_space<semaphore_mem>>
        %dma_start3A_39 = tpu.memref_slice %arg10[%add3A_22] : memref<6400000xf32, #tpu.memory_space<hbm>> -> memref<2000xf32, #tpu.memory_space<hbm>>
        %dma_start3A_40 = tpu.memref_slice %arg10[%add3A_22] : memref<6400000xf32, #tpu.memory_space<hbm>> -> memref<2000xf32, #tpu.memory_space<hbm>>
        tpu.enqueue_dma source(%arg24 : memref<2000xf32, #tpu.memory_space<vmem>>) target(%dma_start3A_40 : memref<2000xf32, #tpu.memory_space<hbm>>) target_semaphore(%run_scoped3A : memref<!tpu.dma_semaphore, #tpu.memory_space<semaphore_mem>>)
        %dma_wait3A_41 = tpu.memref_slice %arg10[%add3A_22] : memref<6400000xf32, #tpu.memory_space<hbm>> -> memref<2000xf32, #tpu.memory_space<hbm>>
        %dma_wait3A_42 = tpu.memref_slice %arg10[%add3A_22] : memref<6400000xf32, #tpu.memory_space<hbm>> -> memref<2000xf32, #tpu.memory_space<hbm>>
        tpu.wait_dma2 semaphore(%run_scoped3A : memref<!tpu.dma_semaphore, #tpu.memory_space<semaphore_mem>>) src(%arg24 : memref<2000xf32, #tpu.memory_space<vmem>>) dst(%dma_wait3A_42 : memref<2000xf32, #tpu.memory_space<hbm>>)
        tpu.yield
      }) : () -> ()
      %scan3A_38 = arith.constant 0 : i32
      scf.yield %scan3A_38 : i32
    }
    %scan3A_17 = arith.constant 100 : i32
    return
  }
}

module attributes {stable_mosaic.version = 14 : i64} {
  func.func @_tc_body(%arg0: i32, %arg1: memref<25600xf32, #tpu.memory_space<vmem>>, %arg2: memref<25600xf32, #tpu.memory_space<vmem>>, %arg3: memref<25600xf32, #tpu.memory_space<vmem>>, %arg4: memref<25600xf32, #tpu.memory_space<vmem>>, %arg5: memref<25600xf32, #tpu.memory_space<vmem>>, %arg6: memref<25600xf32, #tpu.memory_space<vmem>>, %arg7: memref<25600xf32, #tpu.memory_space<vmem>>, %arg8: memref<25600xf32, #tpu.memory_space<vmem>>) attributes {dimension_semantics = [#tpu.dimension_semantics<arbitrary>], iteration_bounds = array<i64: 250>, scalar_prefetch = 0 : i64, scratch_operands = 0 : i64, tpu.core_type = #tpu.core_type<tc>, window_params = [{transform_indices = @transform_0, window_bounds = array<i64: 25600>}, {transform_indices = @transform_1, window_bounds = array<i64: 25600>}, {transform_indices = @transform_2, window_bounds = array<i64: 25600>}, {transform_indices = @transform_3, window_bounds = array<i64: 25600>}, {transform_indices = @transform_4, window_bounds = array<i64: 25600>}, {transform_indices = @transform_5, window_bounds = array<i64: 25600>}, {transform_indices = @transform_6, window_bounds = array<i64: 25600>}, {transform_indices = @transform_7, window_bounds = array<i64: 25600>}]} {
    %get3A = arith.constant 0 : index
    %get3A_0 = vector.load %arg4[%get3A] : memref<25600xf32, #tpu.memory_space<vmem>>, vector<25600xf32>
    %get3A_1 = arith.constant 0 : index
    %get3A_2 = vector.load %arg1[%get3A_1] : memref<25600xf32, #tpu.memory_space<vmem>>, vector<25600xf32>
    %get3A_3 = arith.constant 0 : index
    %get3A_4 = vector.load %arg5[%get3A_3] : memref<25600xf32, #tpu.memory_space<vmem>>, vector<25600xf32>
    %mul3A = arith.mulf %get3A_2, %get3A_4 : vector<25600xf32>
    %add3A = arith.addf %get3A_0, %mul3A : vector<25600xf32>
    %get3A_5 = arith.constant 0 : index
    %get3A_6 = vector.load %arg2[%get3A_5] : memref<25600xf32, #tpu.memory_space<vmem>>, vector<25600xf32>
    %get3A_7 = arith.constant 0 : index
    %get3A_8 = vector.load %arg6[%get3A_7] : memref<25600xf32, #tpu.memory_space<vmem>>, vector<25600xf32>
    %mul3A_9 = arith.mulf %get3A_6, %get3A_8 : vector<25600xf32>
    %add3A_10 = arith.addf %add3A, %mul3A_9 : vector<25600xf32>
    %get3A_11 = arith.constant 0 : index
    %get3A_12 = vector.load %arg3[%get3A_11] : memref<25600xf32, #tpu.memory_space<vmem>>, vector<25600xf32>
    %get3A_13 = arith.constant 0 : index
    %get3A_14 = vector.load %arg7[%get3A_13] : memref<25600xf32, #tpu.memory_space<vmem>>, vector<25600xf32>
    %mul3A_15 = arith.mulf %get3A_12, %get3A_14 : vector<25600xf32>
    %add3A_16 = arith.addf %add3A_10, %mul3A_15 : vector<25600xf32>
    %swap3A = arith.constant 0 : index
    %swap3A_17 = vector.load %arg8[%swap3A] : memref<25600xf32, #tpu.memory_space<vmem>>, vector<25600xf32>
    tpu.vector_store %arg8[%swap3A], %add3A_16 {strides = array<i32>} : memref<25600xf32, #tpu.memory_space<vmem>>, vector<25600xf32>,
    return
  }
  func.func @transform_0(%arg0: i32) -> i32 {
    %c0_i32 = arith.constant 0 : i32
    return %arg0 : i32
  }
  func.func @transform_1(%arg0: i32) -> i32 {
    %c0_i32 = arith.constant 0 : i32
    return %arg0 : i32
  }
  func.func @transform_2(%arg0: i32) -> i32 {
    %c0_i32 = arith.constant 0 : i32
    return %arg0 : i32
  }
  func.func @transform_3(%arg0: i32) -> i32 {
    %c0_i32 = arith.constant 0 : i32
    return %arg0 : i32
  }
  func.func @transform_4(%arg0: i32) -> i32 {
    %c0_i32 = arith.constant 0 : i32
    return %arg0 : i32
  }
  func.func @transform_5(%arg0: i32) -> i32 {
    %c0_i32 = arith.constant 0 : i32
    return %arg0 : i32
  }
  func.func @transform_6(%arg0: i32) -> i32 {
    %c0_i32 = arith.constant 0 : i32
    return %arg0 : i32
  }
  func.func @transform_7(%arg0: i32) -> i32 {
    %c0_i32 = arith.constant 0 : i32
    return %arg0 : i32
  }
}

</mosaic_0001>

<sc_bundles>
// kernel: _run.4.cloned.1.call-start
scs
__scs_entry_jumppad:
0x0: {  	(pc) =	sbr.rel $0x88, $3  }
0x1: {  	(tag) =	ssettag $0x0;
	lr =	simm.s32 $0x1  }
0x2: {  	[smem:$0x3F9B] =	sst lr;
	_ =	strace $0xD0000000  }
0x3: {  	_ = 	snop  }
0x4: {  	_ = 	snop  }
0x5: {  	_ = 	snop  }
0x6: {  	_ = 	snop  }
0x7: {  	_ = 	snop  }
__scs_overlays_trampoline_lowered:
0x8: {  	[smem:$0x3FAA] =	sst s0  }
0x9: {  	[smem:$0x3FAB] =	sst s1  }
0xa: {  	[smem:$0x3FAC] =	sst s2  }
0xb: {  	[smem:$0x3FAD] =	sst s3  }
0xc: {  	[smem:$0x3FAE] =	sst s4  }
0xd: {  	[smem:$0x3FAF] =	sst s5  }
0xe: {  	[smem:$0x3FB0] =	sst s6  }
0xf: {  	[smem:$0x3FB1] =	sst s7  }
0x10: {  	[smem:$0x3FB2] =	sst s8  }
0x11: {  	[smem:$0x3FB3] =	sst s9;
	s0 =	simm.s32 @!p0 $0x0  }
0x12: {  	s1 =	sld [smem:$0x3F99];
	s0 =	simm.s32 @p0 $0x1  }
0x13: {  	[smem:$0x3FB4] =	sst s0;
	s0 =	simm.s32 @!p1 $0x0  }
0x14: {  	s2 =	sld [smem:$0x3F98];
	s0 =	simm.s32 @p1 $0x1  }
0x15: {  	[smem:$0x3FB5] =	sst s0;
	s0 =	simm.s32 @!p2 $0x0  }
0x16: {  	s3 =	sld [smem:$0x3FDB];
	s0 =	simm.s32 @p2 $0x1  }
0x17: {  	s4 =	simm.s32 $0x1BF5;
	[smem:$0x3FB7] =	sst s0  }
0x18: {  	s0 =	sld [smem:$0x3F9A];
	_ =	swait.ge [sflag:s4], $0x0  }
0x19: {  	s7 =	sld [smem:$0x3F9B]  }
0x1a: {  	s8 =	sadd.s32 $0xFFFFE003, lr  }
0x1b: {  	s9 =	sadd.s32 $0xFFFFFEF7, lr;
	s5 =	simm.s32 $0xFFFFFFFF;
	p2 =	slt.u32 s8, $0xFFFFF086  }
0x1c: {  	p1 =	slt.u32 s9, $0xF7A;
	s5 =	simm.s32 @!p2 $0x0  }
0x1d: {  	s5 =	simm.s32 @p1 $0x1;
	p0 =	seq.s32 s7, s2  }
0x1e: {  	s7 =	smul.u32 @!p0 $0xF7A, s2;
	p2 =	seq.s32 @!p0 s5, $0x0  }
0x1f: {  	s9 =	smul.u32 $0xF7A, s1;
	s8 =	simm.s32 @!p0 $0x1BF5;
	p2 =	por !p2, p0  }
0x20: {  	[sflag:s8] =	ssyncset.s32 @!p0 $0xFFFFF086;
	s6 =	sadd.s32 @!p0 s3, s7;
	s7 =	simm.s32 @!p0 $0x108  }
0x21: {  	s3 =	sadd.s32 s3, s9;
	s6 =	sadd.s32 @!p0 $0x88, s6;
	s7 =	simm.s32 @p2 $0x1082  }
0x22: {  	[simem:s7], [sflag:s8] =	dma.local @!p0 [hbm:s6], $0xF7A  }
0x23: {  	s9 =	sor.u32 $0xD0000000, s2;
	s6 =	simm.s32 $0x108;
	_ =	swait.ge @!p0 [sflag:s8], $0x0  }
0x24: {  	s3 =	sadd.s32 $0x88, s3;
	s6 =	simm.s32 @!p1 $0x1082;
	[sflag:s4] =	ssyncset.s32 $0xFFFFF086  }
0x25: {  	[simem:s6], [sflag:s4] =	dma.local [hbm:s3], $0xF7A  }
0x26: {  	[smem:$0x3F9B] =	sst s1;
	(tag) =	ssettag s2;
	_ =	strace s9  }
0x27: {  	s1 =	sld [smem:$0x3FAB]  }
0x28: {  	s2 =	sld [smem:$0x3FAC]  }
0x29: {  	s4 =	sld [smem:$0x3FAE]  }
0x2a: {  	p0 =	seq.s32 s5, $0x0;
	s5 =	sld [smem:$0x3FAF]  }
0x2b: {  	s6 =	sld [smem:$0x3FB0]  }
0x2c: {  	s7 =	sld [smem:$0x3FB1]  }
0x2d: {  	s3 =	simm.s32 $0x108;
	s8 =	sld [smem:$0x3FB2]  }
0x2e: {  	s3 =	simm.s32 @!p0 $0x1082;
	s9 =	sld [smem:$0x3FB3]  }
0x2f: {  	lr =	sadd.s32 s0, s3;
	s0 =	sld [smem:$0x3FAA]  }
0x30: {  	s3 =	sld [smem:$0x3FAD]  }
0x31: {  	[smem:$0x3FB6] =	sst s10  }
0x32: {  	s10 =	sld [smem:$0x3FB4];
	_ =	sdelay $0x3  }
0x33: {  	p0 =	seq.s32 s10, $0x1;
	s10 =	sld [smem:$0x3FB6];
	_ =	sdelay $0x3  }
0x34: {  	[smem:$0x3FB6] =	sst s10  }
0x35: {  	s10 =	sld [smem:$0x3FB5];
	_ =	sdelay $0x3  }
0x36: {  	p1 =	seq.s32 s10, $0x1;
	s10 =	sld [smem:$0x3FB6];
	_ =	sdelay $0x3  }
0x37: {  	[smem:$0x3FB6] =	sst s10  }
0x38: {  	s10 =	sld [smem:$0x3FB7]  }
0x39: {  	_ = 	snop;
	(pc) =	sbr.ind lr, $3  }
0x3a: {  	_ = 	snop  }
0x3b: {  	_ = 	snop  }
0x3c: {  	p2 =	seq.s32 s10, $0x1;
	s10 =	sld [smem:$0x3FB6]  }
0x3d: {  	_ =	shalt  }
0x3e: {  	_ =	shalt  }
0x3f: {  	_ =	shalt  }
0x40: {  	_ =	shalt  }
0x41: {  	_ =	shalt  }
0x42: {  	_ =	shalt  }
0x43: {  	_ =	shalt  }
0x44: {  	_ =	shalt  }
0x45: {  	_ =	shalt  }
0x46: {  	_ =	shalt  }
0x47: {  	_ =	shalt  }
0x48: {  	_ =	shalt  }
0x49: {  	_ =	shalt  }
0x4a: {  	_ =	shalt  }
0x4b: {  	_ =	shalt  }
0x4c: {  	_ =	shalt  }
0x4d: {  	_ =	shalt  }
0x4e: {  	_ =	shalt  }
0x4f: {  	_ =	shalt  }
0x50: {  	_ =	shalt  }
0x51: {  	_ =	shalt  }
0x52: {  	_ =	shalt  }
0x53: {  	_ =	shalt  }
0x54: {  	_ =	shalt  }
0x55: {  	_ =	shalt  }
0x56: {  	_ =	shalt  }
0x57: {  	_ =	shalt  }
0x58: {  	_ =	shalt  }
0x59: {  	_ =	shalt  }
0x5a: {  	_ =	shalt  }
0x5b: {  	_ =	shalt  }
0x5c: {  	_ =	shalt  }
0x5d: {  	_ =	shalt  }
0x5e: {  	_ =	shalt  }
0x5f: {  	_ =	shalt  }
0x60: {  	_ =	shalt  }
0x61: {  	_ =	shalt  }
0x62: {  	_ =	shalt  }
0x63: {  	_ =	shalt  }
0x64: {  	_ =	shalt  }
0x65: {  	_ =	shalt  }
0x66: {  	_ =	shalt  }
0x67: {  	_ =	shalt  }
0x68: {  	_ =	shalt  }
0x69: {  	_ =	shalt  }
0x6a: {  	_ =	shalt  }
0x6b: {  	_ =	shalt  }
0x6c: {  	_ =	shalt  }
0x6d: {  	_ =	shalt  }
0x6e: {  	_ =	shalt  }
0x6f: {  	_ =	shalt  }
0x70: {  	_ =	shalt  }
0x71: {  	_ =	shalt  }
0x72: {  	_ =	shalt  }
0x73: {  	_ =	shalt  }
0x74: {  	_ =	shalt  }
0x75: {  	_ =	shalt  }
0x76: {  	_ =	shalt  }
0x77: {  	_ =	shalt  }
0x78: {  	_ =	shalt  }
0x79: {  	_ =	shalt  }
0x7a: {  	_ =	shalt  }
0x7b: {  	_ =	shalt  }
0x7c: {  	_ =	shalt  }
0x7d: {  	_ =	shalt  }
0x7e: {  	_ =	shalt  }
0x7f: {  	_ =	shalt  }
0x80: {  	_ =	shalt  }
0x81: {  	_ =	shalt  }
0x82: {  	_ =	shalt  }
0x83: {  	_ =	shalt  }
0x84: {  	_ =	shalt  }
0x85: {  	_ =	shalt  }
0x86: {  	_ =	shalt  }
0x87: {  	_ =	shalt  }
.Lfunc_end0:
.L_simem_size_0:
called_computation_lowered:
.L_overlay_start_0:
0x88: {  	s2 =	sld [smem:$0x3FD9]  }
0x89: {  	s3 =	sld [smem:$0x3FFE];
	_ =	sdelay $0x1  }
0x8a: {  	s1 =	srdreg.scid  }
0x8b: {  	s0 =	sand.u32 $0x1, s1  }
0x8c: {  	s17 =	sshll.u32 s0, $0xA;
	s2 =	sadd.s32 s3, s2  }
0x8d: {  	s2 =	sadd.s32 s2, s17  }
0x8e: {  	[smem:$0x3FC2] =	sst s2  }
0x8f: {  	_ = 	snop  }
0x90: {  	s2 =	sld [smem:$0x3FC9]  }
0x91: {  	s18 =	sld [smem:$0x3FC8]  }
0x92: {  	s4 =	sld [smem:$0x3FC7]  }
0x93: {  	s5 =	sld [smem:$0x3FC6]  }
0x94: {  	s6 =	sld [smem:$0x3FD0];
	(tm) =	ssettm $0x1  }
0x95: {  	s7 =	sld [smem:$0x3FFB];
	_ =	sdelay $0x3  }
0x96: {  	_ =	strace s7  }
0x97: {  	s7 =	sld [smem:$0x3FFC];
	_ =	sdelay $0x3  }
0x98: {  	_ =	strace s7  }
0x99: {  	s7 =	sld [smem:$0x3FFD];
	_ =	sdelay $0x3  }
0x9a: {  	_ =	strace s7  }
0x9b: {  	_ =	strace $0x8FFFFFFF  }
0x9c: {  	s19 =	sld [smem:$0x3FDB];
	_ =	sdelay $0x1  }
0x9d: {  	s8 =	simm.s32 $_scs_section_size  }
0x9e: {  	s9 =	simm.s32 $_size__tile_overlayer_lowered;
	s10 =	simm.s32 $_tile_overlayer_lowered  }
0x9f: {  	s22 =	simm.s32 $0x1BFF;
	s21 =	sshll.u32 s10, $0x1;
	s7 =	sadd.s32 s8, s19  }
0xa0: {  	s11 =	simm.s32 $0x0;
	s20 =	sshll.u32 s9, $0x1;
	s9 =	sadd.s32 s21, s7  }
0xa1: {  	[timem:s11], [sflag:s22] =	dma.local [hbm:s9], s20  }
0xa2: {  	_ =	swait.ge [sflag:s22], s20  }
0xa3: {  	s8 =	ssub.s32 $0x0, s20;
	[sflag:s22] =	ssyncset.done $0x0  }
0xa4: {  	[sflag:s22] =	ssyncadd.s32 s8;
	_ =	sdelay $0x1  }
0xa5: {  	s23 =	simm.s32 $0x1B8B  }
0xa6: {  	_ =	swait.ge [sflag:s23], $0x1  }
0xa7: {  	[sflag:s23] =	ssyncset.done $0x0  }
0xa8: {  	s25 =	simm.s32 $0x1B8E;
	s24 =	sld [smem:$0x3FFE];
	[sflag:s23] =	ssyncadd.s32 $0xFFFFFFFF  }
0xa9: {  	s26 =	simm.s32 $execute0_lowered;
	[smem:$0x3FD2] =	sst s25  }
0xaa: {  	s9 =	sshll.u32 s26, $0x1;
	_ =	strace $0x80000046;
	[dreg:$0x1] =	wrdreg $0xFFFFFFFF  }
0xab: {  	s28 =	simm.s32 $_size_execute0_lowered;
	s7 =	sadd.s32 s7, s9;
	[dreg:$0x0] =	wrdreg $0x0  }
0xac: {  	s9 =	sshll.u32 s28, $0x1;
	[dreg:$0x2] =	wrdreg s7  }
0xad: {  	[dreg:$0x3] =	wrdreg s9  }
0xae: {  	[dreg:$0x4] =	wrdreg $0xC0  }
0xaf: {  	_ =	task [dreg:s11], $0x5FFFF  }
0xb0: {  	[dreg:$0x1] =	wrdreg $0xFFFFFFFF  }
0xb1: {  	[dreg:$0x0] =	wrdreg $0x60  }
0xb2: {  	[dreg:$0x2] =	wrdreg s2  }
0xb3: {  	[dreg:$0x3] =	wrdreg s18  }
0xb4: {  	[dreg:$0x4] =	wrdreg s4  }
0xb5: {  	[dreg:$0x5] =	wrdreg s5  }
0xb6: {  	[dreg:$0x6] =	wrdreg s6  }
0xb7: {  	[dreg:$0x7] =	wrdreg s24  }
0xb8: {  	[dreg:$0x8] =	wrdreg $0x9  }
0xb9: {  	_ =	task.clear_ibuf [dreg:s11], $0x9FFFF;
	_ =	strace $0x90000046  }
0xba: {  	s29 =	simm.s32 $0x9;
	_ =	strace $0x80000048  }
0xbb: {  	_ =	swait.ge [sflag:s29], $0x1  }
0xbc: {  	[sflag:s29] =	ssyncadd.s32 $0xFFFFFFFF  }
0xbd: {  	_ =	strace $0x90000048  }
0xbe: {  	_ =	sfence  }
0xbf: {  	s30 =	sld [smem:$0x0];
	_ =	sdelay $0x2  }
0xc0: {  	s31 =	sshll.u32 s1, $0xD;
	s1 =	sshrl.u32 s1, $0x2  }
0xc1: {  	s3 =	sand.u32 $0x4000, s31;
	s1 =	sadd.s32 s1, s30  }
0xc2: {  	s0 =	sor.u32 s3, s0;
	s1 =	sshll.u32 s1, $0x11  }
0xc3: {  	s0 =	sor.u32 s1, s0  }
0xc4: {  	s0 =	sadd.s32 $0x8F2B, s0  }
0xc5: {  	[sflag:s0] =	ssyncadd.remote.s32 $0x1  }
0xc6: {  	_ =	sfence.sel $0xFFFF  }
0xc7: {  	[dreg:$0x0] =	wrdreg $0xFFFFFFFF;
	(pc) =	sbr.abs _section_cstart, $3  }
0xc8: {  	[dreg:$0x1] =	wrdreg $0xFFFFFFFF  }
0xc9: {  	_ =	task.clear_ibuf [dreg:s11], $0x2FFFF;
	_ =	strace $0x9FFFFFFF  }
0xca: {  	(tm) =	ssettm $0x7FFFFFFF  }
0xcb: {  	_ =	shalt  }
tec
execute0_lowered:
.L_overlay_start_1:
0x0: {  	(tag) =	ssettag $0x1  }
0x1: {  	s5 =	rddreg [dreg:$0x4]  }
0x2: {  	s0 =	rddreg [dreg:$0x5];
	s6 =	simm.s32 $0x0;
	s1 =	srdreg.scid  }
0x3: {  	s4 =	stileid.u32;
	s14 =	simm.s32 $0x4;
	s18 =	simm.s32 $0x7D0  }
0x4: {  	[smem:$0x7FF] =	sst s6;
	s2 =	sadd.s32 $0xA00, s0;
	s1 =	sand.u32 $0x1, s1  }
0x5: {  	s26 =	sadd.s32 $0xC4000, s0;
	s3 =	sadd.s32 $0x187600, s0;
	s4 =	sshll.u32 s4, $0x1  }
0x6: {  	s0 =	sadd.s32 $0x24AC00, s0;
	_ =	strace $0x80000047;
	[dreg:$0x7] =	wrdreg s2  }
0x7: {  	[dreg:$0x8] =	wrdreg s26;
	s29 =	ssub.s32 $0x2, s1;
	s1 =	sor.u32 s1, s4  }
0x8: {  	[dreg:$0x9] =	wrdreg s3;
	s30 =	sshrl.u32 s29, $0x1;
	s1 =	smul.u32 $0x30D40, s1  }
0x9: {  	s25 =	simm.s32 $0x1;
	[dreg:$0xa] =	wrdreg s0;
	s31 =	ssub.s32 s29, s30  }
0xa: {  	s28 =	simm.s32 $0x3;
	[dreg:$0xb] =	wrdreg s1;
	s0 =	smax.u32 s31, $0x1  }
0xb: {  	s26 =	simm.s32 $0x2;
	s1 =	simm.s32 $0x0;
	[dreg:$0xc] =	wrdreg s0  }
.LBB2_1:
0xc: {  	[dreg:$0xd] =	wrdreg s1  }
0xd: {  	s0 =	rddreg [dreg:$0x1]  }
0xe: {  	[tilespmem:s6], [sflag:$0x4] =	stream.linear.gather [hbm4b:s0+s6], $0x18700, $0x38;
	[tilespmem:$0x1EF00] =	vst v63  }
0xf: {  	_ =	swait.ge [sflag:s14], $0x18700  }
0x10: {  	[sflag:s14] =	ssyncset.done $0x0  }
0x11: {  	s2 =	simm.s32 $0x0;
	[sflag:s14] =	ssyncadd.s32 $0xFFFE7900  }
.LBB2_2:
0x12: {  	s0 =	smul.u32 $0x7D0, s2  }
0x13: {  	s1 =	rddreg [dreg:$0xb]  }
0x14: {  	s0 =	sadd.s32 s1, s0  }
0x15: {  	s22 =	rddreg [dreg:$0x2];
	s13 =	sshrl.u32 s0, $0x3  }
0x16: {  	s23 =	simm.s32 $0x18700;
	s0 =	sadd.s32 s22, s13  }
0x17: {  	[tilespmem:s23], [sflag:$0x4] =	stream.linear.gather [hbm4b:s0+s6], $0x7D0, $0x38;
	[tilespmem:$0x1EF00] =	vst v63  }
0x18: {  	_ =	swait.ge [sflag:s14], $0x7D0  }
0x19: {  	[sflag:s14] =	ssyncset.done $0x0  }
0x1a: {  	[sflag:s14] =	ssyncadd.s32 $0xFFFFF830  }
0x1b: {  	s24 =	rddreg [dreg:$0x3]  }
0x1c: {  	s29 =	simm.s32 $0x18F00;
	s0 =	sadd.s32 s24, s13  }
0x1d: {  	[tilespmem:s29], [sflag:$0x4] =	stream.linear.gather [hbm4b:s0+s6], $0x7D0, $0x38;
	[tilespmem:$0x1EF00] =	vst v63  }
0x1e: {  	_ =	swait.ge [sflag:s14], $0x7D0  }
0x1f: {  	[sflag:s14] =	ssyncset.done $0x0  }
0x20: {  	[sflag:s14] =	ssyncadd.s32 $0xFFFFF830  }
0x21: {  	s30 =	rddreg [dreg:$0x0]  }
0x22: {  	s31 =	simm.s32 $0x19700;
	s0 =	sadd.s32 s30, s13  }
0x23: {  	[tilespmem:s31], [sflag:$0x4] =	stream.linear.gather [hbm4b:s0+s6], $0x7D0, $0x38;
	[tilespmem:$0x1EF00] =	vst v63  }
0x24: {  	_ =	swait.ge [sflag:s14], $0x7D0  }
0x25: {  	[sflag:s14] =	ssyncset.done $0x0  }
0x26: {  	s4 =	simm.s32 $0x18720;
	[sflag:s14] =	ssyncadd.s32 $0xFFFFF830  }
0x27: {  	v0 =	vld [tilespmem:s4+$0xFFFFFFE0];
	_ =	sdelay $0x1  }
0x28: {  	v1 =	vld [tilespmem:s4+$0x0];
	_ =	sdelay $0x2  }
0x29: {  	v2 =	vld [tilespmem:s4+$0xFFFFFFF0];
	v3 =	vmul.u32 $0x3, v0  }
0x2a: {  	s0 =	simm.s32 $0x19F20  }
0x2b: {  	s1 =	simm.s32 $0x1A720;
	v0 =	vmul.u32 $0x3, v1;
	[tilespmem:s0+$0xFFFFFFE0] =	vst v3;
	v1 =	vadd.s32 $0x1, v3  }
0x2c: {  	s3 =	simm.s32 $0x1AF20;
	[tilespmem:s1+$0xFFFFFFE0] =	vst v1;
	v1 =	vadd.s32 $0x2, v3  }
0x2d: {  	[tilespmem:s3+$0xFFFFFFE0] =	vst v1;
	v1 =	vld [tilespmem:s4+$0x10]  }
0x2e: {  	v5 =	vmul.u32 $0x3, v2  }
0x2f: {  	s7 =	simm.s32 $0x0;
	s8 =	simm.s32 $0x19F60;
	[tilespmem:s0+$0x0] =	vst v0  }
0x30: {  	s9 =	simm.s32 $0x18760;
	s10 =	simm.s32 $0x1A720;
	v2 =	vadd.s32 $0x1, v0;
	v4 =	vadd.s32 $0x1, v5;
	[tilespmem:s0+$0xFFFFFFF0] =	vst v5;
	v3 =	vadd.s32 $0x2, v5;
	s4 =	simm.s32 $0x1AF20  }
.LBB2_3:
0x31: {  	v5 =	vld [tilespmem:s9+$0xFFFFFFE0];
	s7 =	sadd.s32 $0x4, s7;
	[tilespmem:s1+$0xFFFFFFF0] =	vst v4;
	s3 =	sadd.s32 $0x40, s3;
	s10 =	sadd.s32 $0x40, s10  }
0x32: {  	v4 =	vld [tilespmem:s9+$0x0];
	p0 =	slt.u32 s7, $0x78;
	[tilespmem:s1+$0x0] =	vst v2;
	v2 =	vmul.u32 $0x3, v1  }
0x33: {  	v6 =	vld [tilespmem:s9+$0xFFFFFFF0];
	[tilespmem:s4+$0xFFFFFFF0] =	vst v3  }
0x34: {  	v1 =	vld [tilespmem:s9+$0x10];
	[tilespmem:s0+$0x10] =	vst v2;
	v3 =	vadd.s32 $0x1, v2;
	s0 =	smov.u32 s8  }
0x35: {  	v7 =	vadd.s32 $0x2, v0;
	v0 =	vadd.s32 $0x2, v2;
	[tilespmem:s1+$0x10] =	vst v3;
	s1 =	smov.u32 s10  }
0x36: {  	v3 =	vmul.u32 $0x3, v5;
	[tilespmem:s4+$0x10] =	vst v0  }
0x37: {  	v0 =	vmul.u32 $0x3, v4;
	[tilespmem:s4+$0x0] =	vst v7;
	s4 =	smov.u32 s3  }
.Ltmp0:
0x38: {  	[tilespmem:s8+$0xFFFFFFE0] =	vst v3;
	v4 =	vadd.s32 $0x1, v3;
	v5 =	vmul.u32 $0x3, v6;
	(pc) =	sbr.rel @p0 .LBB2_3-.Ltmp0, $4  }
0x39: {  	[tilespmem:s8+$0x0] =	vst v0;
	v2 =	vadd.s32 $0x1, v0  }
0x3a: {  	v3 =	vadd.s32 $0x2, v3;
	[tilespmem:s10+$0xFFFFFFE0] =	vst v4;
	v4 =	vadd.s32 $0x1, v5  }
0x3b: {  	[tilespmem:s3+$0xFFFFFFE0] =	vst v3;
	v3 =	vadd.s32 $0x2, v5  }
0x3c: {  	s9 =	sadd.s32 $0x40, s9;
	s8 =	sadd.s32 $0x40, s8;
	[tilespmem:s0+$0xFFFFFFF0] =	vst v5  }
0x3d: {  	[tilespmem:s1+$0xFFFFFFF0] =	vst v4  }
0x3e: {  	[tilespmem:s1+$0x0] =	vst v2  }
0x3f: {  	v1 =	vmul.u32 $0x3, v1;
	v0 =	vadd.s32 $0x2, v0;
	[tilespmem:s4+$0xFFFFFFF0] =	vst v3  }
0x40: {  	[tilespmem:s4+$0x0] =	vst v0  }
0x41: {  	[tilespmem:s0+$0x10] =	vst v1;
	v2 =	vadd.s32 $0x1, v1  }
0x42: {  	v1 =	vadd.s32 $0x2, v1;
	[tilespmem:s1+$0x10] =	vst v2  }
0x43: {  	[tilespmem:s4+$0x10] =	vst v1  }
0x44: {  	v0 =	vld [tilespmem:$0x18EC0];
	_ =	sdelay $0x4  }
0x45: {  	v0 =	vmul.u32 $0x3, v0;
	_ =	sdelay $0x1  }
0x46: {  	[tilespmem:$0x1A6C0] =	vst v0;
	v1 =	vadd.s32 $0x1, v0  }
0x47: {  	v0 =	vadd.s32 $0x2, v0;
	[tilespmem:$0x1AEC0] =	vst v1  }
0x48: {  	s9 =	simm.s32 $0x19F00;
	s10 =	simm.s32 $0x1B700;
	[tilespmem:$0x1B6C0] =	vst v0  }
0x49: {  	[tilespmem:s10], [sflag:$0x1] =	stream.indirect.gather [hbm4b:s5+s18], $0x1, s9, s18, $0xb8;
	[tilespmem:$0x1EF00] =	vst v63  }
0x4a: {  	s11 =	simm.s32 $0x1A700;
	s12 =	simm.s32 $0x1BF00  }
0x4b: {  	[tilespmem:s12], [sflag:$0x2] =	stream.indirect.gather [hbm4b:s5+s18], $0x1, s11, s18, $0xb8;
	[tilespmem:$0x1EF00] =	vst v63  }
0x4c: {  	s15 =	simm.s32 $0x1AF00;
	s16 =	simm.s32 $0x1C700  }
0x4d: {  	[tilespmem:s16], [sflag:$0x3] =	stream.indirect.gather [hbm4b:s5+s18], $0x1, s15, s18, $0xb8;
	[tilespmem:$0x1EF00] =	vst v63  }
0x4e: {  	_ =	swait.ge [sflag:s25], $0x7D0  }
0x4f: {  	[sflag:s25] =	ssyncset.done $0x0  }
0x50: {  	[sflag:s25] =	ssyncadd.s32 $0xFFFFF830  }
0x51: {  	_ =	swait.ge [sflag:s26], $0x7D0  }
0x52: {  	[sflag:s26] =	ssyncset.done $0x0  }
0x53: {  	[sflag:s26] =	ssyncadd.s32 $0xFFFFF830  }
0x54: {  	_ =	swait.ge [sflag:s28], $0x7D0  }
0x55: {  	[sflag:s28] =	ssyncset.done $0x0  }
0x56: {  	s17 =	simm.s32 $0x19720;
	[sflag:s28] =	ssyncadd.s32 $0xFFFFF830  }
0x57: {  	v0 =	vld [tilespmem:s17+$0xFFFFFFE0]  }
0x58: {  	v1 =	vld [tilespmem:s17+$0x10]  }
0x59: {  	v2 =	vld [tilespmem:s17+$0x0]  }
0x5a: {  	s19 =	simm.s32 $0x18F20;
	v3 =	vld [tilespmem:s17+$0xFFFFFFF0]  }
0x5b: {  	v4 =	vld [tilespmem:s19+$0xFFFFFFE0]  }
0x5c: {  	s20 =	simm.s32 $0x18720;
	v6 =	vld [tilespmem:s19+$0x10]  }
0x5d: {  	v8 =	vld [tilespmem:s20+$0x10]  }
0x5e: {  	s22 =	simm.s32 $0x19760;
	v11 =	vld [tilespmem:s19+$0x0];
	v5 =	vmul.f32 v1, v1  }
0x5f: {  	v28 =	vld [tilespmem:s22+$0x0];
	(erf) = vrcp.f32 v0;
	v7 =	vmul.f32 v2, v2  }
0x60: {  	v13 =	vld [tilespmem:s20+$0x0];
	v9 =	vmul.f32 v0, v0;
	v15 =	vmul.f32 v3, v3;
	vm0 =	vlt.f32 v1, $2.500000000e+00  }
0x61: {  	v16 =	vld [tilespmem:s20+$0xFFFFFFE0];
	vm2 =	vgt.f32 v2, $1.000000000e+01;
	v10 =	vadd.f32 v5, v5;
	v12 =	vadd.f32 v7, v7  }
0x62: {  	v17 =	vld [tilespmem:s19+$0xFFFFFFF0];
	(erf) = vrcp.f32 v3;
	v14 =	vadd.f32 v9, v9;
	v9 =	vsub.f32 $1.000000000e+02, v9  }
0x63: {  	s8 =	simm.s32 $0x1B720;
	v18 =	vld [tilespmem:s20+$0xFFFFFFF0];
	vm1 =	vgt.f32 v1, $1.000000000e+01;
	v5 =	vsub.f32 $1.000000000e+02, v5;
	v7 =	vsub.f32 $1.000000000e+02, v7  }
0x64: {  	v25 =	vld [tilespmem:s8+$0xFFFFFFF0];
	v32 =	vmul.f32 v28, v28;
	v10 =	vadd.f32 $1.000000000e+02, v10;
	v12 =	vadd.f32 $1.000000000e+02, v12  }
0x65: {  	v26 =	vld [tilespmem:s22+$0xFFFFFFE0];
	(erf) = vrcp.f32 v1;
	v20 =	vsub.f32 $1.000000000e+02, v15;
	v14 =	vadd.f32 $1.000000000e+02, v14  }
0x66: {  	s23 =	simm.s32 $0x1C720;
	v27 =	vld [tilespmem:s22+$0x10];
	v9 =	vmul.f32 v9, v9;
	v10 =	vadd.f32 $-1.875000000e+01, v10;
	v19 =	vadd.f32 $-1.875000000e+01, v12  }
0x67: {  	v29 =	vld [tilespmem:s23+$0xFFFFFFF0];
	v5 =	vmul.f32 v5, v5;
	v12 =	vadd.f32 v15, v15;
	v14 =	vadd.f32 $-1.875000000e+01, v14  }
0x68: {  	s3 =	simm.s32 $0x18F60;
	vm3 =	vlt.f32 v2, $2.500000000e+00;
	v7 =	vmul.f32 v7, v7;
	v15 =	vld.idx.msk [tilespmem:v11+s6+$0x0], $0xffff;
	v11 =	vmul.f32 v20, v20  }
0x69: {  	v33 =	vld [tilespmem:s3+$0xFFFFFFE0];
	v12 =	vadd.f32 $1.000000000e+02, v12;
	v9 =	vmul.f32 v14, v9;
	v5 =	vmul.f32 v10, v5  }
0x6a: {  	v37 =	vld [tilespmem:s3+$0x10];
	vm4 =	vgt.f32 v0, $1.000000000e+01;
	v7 =	vmul.f32 v19, v7;
	v21 =	vpop (erf);
	(erf) = vrcp.f32 v2  }
0x6b: {  	v2 =	vld.idx.msk [tilespmem:v18+s6+$0x0], $0xffff;
	v22 =	vmul.f32 v21, v21;
	v23 =	vpop (erf);
	v12 =	vadd.f32 $-1.875000000e+01, v12;
	v9 =	vmul.f32 $1.213629620e-06, v9  }
0x6c: {  	vm5 =	vlt.f32 v0, $2.500000000e+00;
	v18 =	vld [tilespmem:s22+$0xFFFFFFF0];
	v7 =	vmul.f32 $1.213629620e-06, v7;
	v20 =	vmul.f32 v23, v23  }
0x6d: {  	vm6 =	vlt.f32 v3, $2.500000000e+00;
	v4 =	vld.idx.msk [tilespmem:v4+s6+$0x0], $0xffff;
	v11 =	vmul.f32 v12, v11;
	v9 =	vmul.f32 $1.439964580e+01, v9  }
0x6e: {  	v40 =	vadd.f32 v32, v32;
	v14 =	vld.idx.msk [tilespmem:v16+s6+$0x0], $0xffff;
	v10 =	vpop (erf);
	(erf) = vrcp.f32 v26;
	v7 =	vmul.f32 $1.439964580e+01, v7  }
0x6f: {  	s24 =	simm.s32 $0x18760;
	v13 =	vld.idx.msk [tilespmem:v13+s6+$0x0], $0xffff;
	v24 =	vmul.f32 v10, v10;
	v0 =	vmul.f32 $1.213629620e-06, v11;
	v9 =	vsel vm4, $0x0, v9  }
0x70: {  	v39 =	vld [tilespmem:s24+$0x10];
	vm4 =	vgt.f32 v3, $1.000000000e+01;
	v3 =	vmul.f32 $1.213629620e-06, v5;
	v7 =	vsel vm2, $0x0, v7  }
0x71: {  	v43 =	vld [tilespmem:s24+$0x0];
	v36 =	vmul.f32 v18, v18;
	(erf) = vrcp.f32 v18;
	v9 =	vsel vm5, $0x416664F3, v9  }
0x72: {  	v1 =	vld.idx.msk [tilespmem:v17+s6+$0x0], $0xffff;
	v30 =	vsel vm3, $0x416664F3, v7;
	v7 =	vmul.f32 v26, v26;
	v11 =	vmul.f32 $1.439964580e+01, v0  }
0x73: {  	v45 =	vld [tilespmem:s3+$0xFFFFFFF0];
	v40 =	vadd.f32 $1.000000000e+02, v40;
	v5 =	vmul.f32 v9, v4;
	v9 =	vmul.f32 v9, v14  }
0x74: {  	v6 =	vld.idx.msk [tilespmem:v6+s6+$0x0], $0xffff;
	v3 =	vmul.f32 $1.439964580e+01, v3;
	v54 =	vmul.f32 v30, v13;
	v34 =	vadd.f32 v7, v7  }
0x75: {  	v8 =	vld.idx.msk [tilespmem:v8+s6+$0x0], $0xffff;
	v7 =	vsub.f32 $1.000000000e+02, v7;
	v0 =	vpop (erf);
	v11 =	vsel vm4, $0x0, v11;
	v5 =	vmul.f32 v5, v21  }
0x76: {  	v47 =	vld [tilespmem:s24+$0xFFFFFFF0];
	v4 =	vmul.f32 v9, v4;
	v16 =	vmul.f32 v0, v0;
	v11 =	vsel vm6, $0x416664F3, v11  }
0x77: {  	s21 =	simm.s32 $0x1BF20;
	v60 =	vld [tilespmem:s23+$0x10];
	v3 =	vsel vm1, $0x0, v3;
	v42 =	vmul.f32 v7, v7;
	v17 =	vmul.f32 v11, v1  }
0x78: {  	v12 =	vld [tilespmem:s21+$0xFFFFFFE0];
	v3 =	vsel vm0, $0x416664F3, v3;
	v2 =	vmul.f32 v11, v2;
	v31 =	vmul.f32 v5, v22  }
0x79: {  	v61 =	vld [tilespmem:s8+$0x10];
	v7 =	vadd.f32 v36, v36;
	v22 =	vmul.f32 v27, v27;
	v35 =	vmul.f32 v3, v6  }
0x7a: {  	v19 =	vld [tilespmem:s21+$0x10];
	v55 =	vadd.f32 $1.000000000e+02, v34;
	v3 =	vmul.f32 v3, v8;
	v21 =	vmul.f32 v4, v21  }
0x7b: {  	v11 =	vld [tilespmem:s23+$0xFFFFFFE0];
	v8 =	vsub.f32 $1.000000000e+02, v36;
	v17 =	vmul.f32 v17, v23;
	v41 =	vmul.f32 v2, v1  }
0x7c: {  	v5 =	vld [tilespmem:s8+$0xFFFFFFE0];
	v13 =	vadd.f32 $1.000000000e+02, v7;
	v35 =	vmul.f32 v35, v10;
	v4 =	vmul.f32 v3, v6  }
0x7d: {  	v14 =	vld [tilespmem:s21+$0xFFFFFFF0];
	v9 =	vsub.f32 $1.000000000e+02, v22;
	v56 =	vmul.f32 v8, v8;
	v12 =	vmul.f32 v31, v12  }
0x7e: {  	v7 =	vld.idx.msk [tilespmem:v37+s6+$0x0], $0xffff;
	v38 =	vadd.f32 v22, v22;
	v20 =	vmul.f32 v17, v20;
	v57 =	vmul.f32 v4, v10  }
0x7f: {  	v1 =	vld [tilespmem:s3+$0x0];
	v13 =	vadd.f32 $-1.875000000e+01, v13;
	v9 =	vmul.f32 v9, v9;
	v23 =	vmul.f32 v41, v23  }
0x80: {  	v22 =	vld [tilespmem:s24+$0xFFFFFFE0];
	v2 =	vadd.f32 $1.000000000e+02, v38;
	v24 =	vmul.f32 v35, v24;
	v53 =	vmul.f32 v31, v11  }
0x81: {  	v8 =	vld.idx.msk [tilespmem:v39+s6+$0x0], $0xffff;
	v10 =	vadd.f32 $-1.875000000e+01, v55;
	v46 =	vmul.f32 v31, v5;
	v13 =	vmul.f32 v13, v56  }
0x82: {  	s16 =	simm.s32 $0x1CF20;
	v32 =	vsub.f32 $1.000000000e+02, v32;
	v4 =	vld.idx.msk [tilespmem:v43+s6+$0x0], $0xffff;
	v58 =	vmul.f32 v20, v29;
	v29 =	vmul.f32 v20, v14  }
0x83: {  	v59 =	vadd.f32 $-1.875000000e+01, v40;
	[tilespmem:s16+$0xFFFFFFE0] =	vst v21;
	v5 =	vld.idx.msk [tilespmem:v33+s6+$0x0], $0xffff;
	v21 =	vmul.f32 v10, v42;
	v20 =	vmul.f32 v20, v25  }
0x84: {  	v44 =	vadd.f32 $-1.875000000e+01, v2;
	v14 =	vld.idx.msk [tilespmem:v45+s6+$0x0], $0xffff;
	[tilespmem:s16+$0xFFFFFFF0] =	vst v23;
	v23 =	vmul.f32 v32, v32;
	v2 =	vpop (erf);
	(erf) = vrcp.f32 v27  }
0x85: {  	s17 =	simm.s32 $0x1D720;
	vm2 =	vlt.f32 v28, $2.500000000e+00;
	v63 =	vmul.f32 v24, v19;
	v19 =	vld.idx.msk [tilespmem:v47+s6+$0x0], $0xffff;
	(erf) = vrcp.f32 v28  }
0x86: {  	vm3 =	vgt.f32 v27, $1.000000000e+01;
	v25 =	vld [tilespmem:s8+$0x0];
	[tilespmem:s17+$0xFFFFFFE0] =	vst v46;
	v62 =	vmul.f32 v44, v9;
	v21 =	vmul.f32 $1.213629620e-06, v21  }
0x87: {  	s22 =	simm.s32 $0x1DF20;
	vm0 =	vlt.f32 v27, $2.500000000e+00;
	s3 =	simm.s32 $0x1BF60;
	[tilespmem:s17+$0xFFFFFFF0] =	vst v20;
	v20 =	vld [tilespmem:s23+$0x0];
	v27 =	vmul.f32 v30, v15;
	v23 =	vmul.f32 v59, v23  }
0x88: {  	s7 =	simm.s32 $0x1D760;
	s29 =	simm.s32 $0x1DF60;
	s30 =	simm.s32 $0x187A0;
	vm5 =	vgt.f32 v26, $1.000000000e+01;
	[tilespmem:s22+$0xFFFFFFE0] =	vst v12;
	v12 =	vld [tilespmem:s3+$0xFFFFFFE0];
	v30 =	vmul.f32 v54, v15;
	v11 =	vmul.f32 v2, v2  }
0x89: {  	s31 =	simm.s32 $0x197A0;
	s0 =	simm.s32 $0x1BFA0;
	vm1 =	vgt.f32 v28, $1.000000000e+01;
	[tilespmem:s22+$0xFFFFFFF0] =	vst v29;
	v29 =	vmul.f32 $1.213629620e-06, v13;
	v17 =	vld.idx.msk [tilespmem:v22+s6+$0x0], $0xffff;
	v22 =	vmul.f32 v24, v60  }
0x8a: {  	s4 =	simm.s32 $0x1B760;
	s19 =	simm.s32 $0x1E720;
	vm4 =	vlt.f32 v18, $2.500000000e+00;
	[tilespmem:s16+$0x10] =	vst v57;
	v3 =	vpop (erf);
	v28 =	vmul.f32 $1.439964580e+01, v21;
	v21 =	vld [tilespmem:s21+$0x0];
	v24 =	vmul.f32 v24, v61  }
0x8b: {  	s1 =	simm.s32 $0x1CF60;
	s9 =	simm.s32 $0x18FA0;
	s10 =	simm.s32 $0x1D7A0;
	vm6 =	vlt.f32 v26, $2.500000000e+00;
	v15 =	vld [tilespmem:s4+$0xFFFFFFF0];
	[tilespmem:s19+$0xFFFFFFE0] =	vst v53;
	v6 =	vmul.f32 v3, v3;
	v31 =	vmul.f32 v27, v0  }
0x8c: {  	s11 =	simm.s32 $0x1CFA0;
	s12 =	simm.s32 $0x1C7A0;
	v13 =	vld [tilespmem:s3+$0x10];
	v26 =	vmul.f32 $1.213629620e-06, v62;
	[tilespmem:s19+$0xFFFFFFF0] =	vst v58;
	v23 =	vmul.f32 $1.213629620e-06, v23;
	v28 =	vsel vm5, $0x0, v28  }
0x8d: {  	s15 =	simm.s32 $0x1C760;
	s20 =	simm.s32 $0x1DF60;
	s24 =	simm.s32 $0x4;
	v1 =	vld.idx.msk [tilespmem:v1+s6+$0x0], $0xffff;
	v29 =	vmul.f32 $1.439964580e+01, v29;
	[tilespmem:s17+$0x10] =	vst v24;
	v27 =	vsel vm6, $0x416664F3, v28;
	v28 =	vmul.f32 v31, v16;
	v10 =	vpop (erf)  }
0x8e: {  	s8 =	simm.s32 $0x1B7A0;
	s23 =	simm.s32 $0x1E760;
	s21 =	simm.s32 $0x1E760;
	vm5 =	vgt.f32 v18, $1.000000000e+01;
	v18 =	vld [tilespmem:s3+$0xFFFFFFF0];
	[tilespmem:s22+$0x10] =	vst v63;
	v31 =	vmul.f32 v27, v5;
	v9 =	vmul.f32 v10, v10;
	v24 =	vpop (erf)  }
.LBB2_5:
0x8f: {  	s24 =	sadd.s32 $0x4, s24;
	v32 =	vld [tilespmem:s15+$0xFFFFFFF0];
	v16 =	vmul.f32 v24, v24;
	s23 =	sadd.s32 $0x40, s23;
	s29 =	sadd.s32 $0x40, s29;
	v33 =	vmul.f32 v28, v21  }
0x90: {  	v30 =	vmul.f32 v30, v0;
	v0 =	vmov v24;
	v21 =	vld [tilespmem:s31+$0xFFFFFFE0];
	p0 =	slt.u32 s24, $0x78;
	v31 =	vmul.f32 v31, v2  }
0x91: {  	v29 =	vsel vm5, $0x0, v29;
	v25 =	vmul.f32 v28, v25;
	v23 =	vmul.f32 $1.439964580e+01, v23;
	v24 =	vld [tilespmem:s31+$0x10];
	[tilespmem:s19+$0x10] =	vst v22  }
0x92: {  	v17 =	vmul.f32 v27, v17;
	v26 =	vmul.f32 $1.439964580e+01, v26;
	v27 =	vsel vm4, $0x416664F3, v29;
	v34 =	vld [tilespmem:s31+$0x0];
	[tilespmem:s16+$0x0] =	vst v30;
	s16 =	smov.u32 s1;
	s1 =	smov.u32 s11  }
0x93: {  	v20 =	vmul.f32 v28, v20;
	v29 =	vmul.f32 v27, v14;
	v23 =	vsel vm1, $0x0, v23;
	v22 =	vld [tilespmem:s31+$0xFFFFFFF0];
	[tilespmem:s17+$0x0] =	vst v25;
	s17 =	smov.u32 s7;
	s7 =	smov.u32 s10  }
0x94: {  	v19 =	vmul.f32 v27, v19;
	v26 =	vsel vm3, $0x0, v26;
	v23 =	vsel vm2, $0x416664F3, v23;
	v25 =	vld [tilespmem:s4+$0xFFFFFFE0];
	[tilespmem:s22+$0x0] =	vst v33;
	s22 =	smov.u32 s20;
	s20 =	smov.u32 s29  }
0x95: {  	v30 =	vmul.f32 v31, v11;
	v11 =	vsel vm0, $0x416664F3, v26;
	v27 =	vmul.f32 v21, v21;
	v28 =	vld [tilespmem:s15+$0xFFFFFFE0];
	[tilespmem:s19+$0x0] =	vst v20;
	s19 =	smov.u32 s21;
	s21 =	smov.u32 s23  }
0x96: {  	v20 =	vld [tilespmem:s9+$0xFFFFFFE0];
	v26 =	vmul.f32 v24, v24;
	(erf) = vrcp.f32 v21  }
0x97: {  	v36 =	vmul.f32 v11, v7;
	v31 =	vadd.f32 v27, v27;
	v33 =	vmul.f32 v34, v34;
	v35 =	vld [tilespmem:s9+$0x10]  }
0x98: {  	v29 =	vmul.f32 v29, v3;
	v37 =	vmul.f32 v22, v22;
	v38 =	vld [tilespmem:s30+$0x10];
	v39 =	vadd.f32 v26, v26  }
0x99: {  	v19 =	vmul.f32 v19, v14;
	v27 =	vsub.f32 $1.000000000e+02, v27;
	v40 =	vld [tilespmem:s9+$0x0];
	v41 =	vadd.f32 v33, v33  }
0x9a: {  	v14 =	vld [tilespmem:s30+$0x0];
	v39 =	vadd.f32 $1.000000000e+02, v39;
	(erf) = vrcp.f32 v22;
	v28 =	vmul.f32 v30, v28  }
0x9b: {  	v17 =	vmul.f32 v17, v5;
	v27 =	vmul.f32 v27, v27;
	v42 =	vld [tilespmem:s30+$0xFFFFFFE0];
	v41 =	vadd.f32 $1.000000000e+02, v41  }
0x9c: {  	v44 =	vmul.f32 v11, v8;
	v26 =	vsub.f32 $1.000000000e+02, v26;
	v43 =	vld [tilespmem:s9+$0xFFFFFFF0];
	v39 =	vadd.f32 $-1.875000000e+01, v39  }
0x9d: {  	v36 =	vmul.f32 v36, v10;
	v33 =	vsub.f32 $1.000000000e+02, v33;
	v45 =	vld [tilespmem:s30+$0xFFFFFFF0];
	v41 =	vadd.f32 $-1.875000000e+01, v41  }
0x9e: {  	v25 =	vmul.f32 v30, v25;
	v8 =	vadd.f32 v37, v37;
	v5 =	vld.idx.msk [tilespmem:v20+s6+$0x0], $0xffff;
	v20 =	vadd.f32 $1.000000000e+02, v31  }
0x9f: {  	v46 =	vmul.f32 v23, v4;
	v31 =	vsub.f32 $1.000000000e+02, v37;
	v35 =	vld.idx.msk [tilespmem:v35+s6+$0x0], $0xffff;
	v37 =	vpop (erf);
	(erf) = vrcp.f32 v24  }
0xa0: {  	v17 =	vmul.f32 v17, v2;
	v4 =	vadd.f32 $1.000000000e+02, v8;
	v11 =	vmul.f32 v37, v37;
	v8 =	vld.idx.msk [tilespmem:v38+s6+$0x0], $0xffff;
	v2 =	vmovc v37  }
0xa1: {  	v7 =	vmul.f32 v44, v7;
	vm0 =	vlt.f32 v24, $2.500000000e+00;
	v31 =	vmul.f32 v31, v31;
	v37 =	vld.idx.msk [tilespmem:v40+s6+$0x0], $0xffff  }
0xa2: {  	v29 =	vmul.f32 v29, v6;
	vm1 =	vgt.f32 v34, $1.000000000e+01;
	v38 =	vadd.f32 $-1.875000000e+01, v4;
	v4 =	vld.idx.msk [tilespmem:v14+s6+$0x0], $0xffff;
	[tilespmem:s16+$0xFFFFFFE0] =	vst v17  }
0xa3: {  	vm3 =	vgt.f32 v24, $1.000000000e+01;
	v17 =	vld.idx.msk [tilespmem:v42+s6+$0x0], $0xffff;
	v24 =	vpop (erf);
	(erf) = vrcp.f32 v34;
	[tilespmem:s17+$0xFFFFFFE0] =	vst v25;
	v25 =	vmul.f32 v7, v10  }
0xa4: {  	v32 =	vmul.f32 v29, v32;
	v10 =	vadd.f32 $-1.875000000e+01, v20;
	v14 =	vld.idx.msk [tilespmem:v43+s6+$0x0], $0xffff;
	v6 =	vmul.f32 v24, v24  }
0xa5: {  	vm2 =	vlt.f32 v34, $2.500000000e+00;
	v18 =	vmul.f32 v29, v18;
	v31 =	vmul.f32 v38, v31;
	v7 =	vmovc v35;
	v20 =	vld [tilespmem:s15+$0x10]  }
0xa6: {  	vm7 =	vgt.f32 v21, $1.000000000e+01;
	v26 =	vmul.f32 v26, v26;
	v34 =	vmul.f32 v19, v3;
	v3 =	vmovc v24  }
0xa7: {  	vm6 =	vlt.f32 v21, $2.500000000e+00;
	v35 =	vmul.f32 v36, v9;
	v24 =	vmul.f32 v10, v27;
	v27 =	vld [tilespmem:s4+$0x10]  }
0xa8: {  	v15 =	vmul.f32 v29, v15;
	v21 =	vmul.f32 v39, v26;
	v19 =	vld.idx.msk [tilespmem:v45+s6+$0x0], $0xffff;
	v10 =	vpop (erf);
	[tilespmem:s16+$0xFFFFFFF0] =	vst v34  }
0xa9: {  	vm4 =	vlt.f32 v22, $2.500000000e+00;
	v29 =	vmul.f32 v33, v33;
	v33 =	vmul.f32 v35, v13  }
0xaa: {  	vm5 =	vgt.f32 v22, $1.000000000e+01;
	v9 =	vmul.f32 v10, v10;
	[tilespmem:s17+$0xFFFFFFF0] =	vst v15;
	v22 =	vmul.f32 v35, v20  }
0xab: {  	v12 =	vmul.f32 v30, v12;
	v13 =	vmul.f32 $1.213629620e-06, v24;
	v20 =	vld [tilespmem:s15+$0x0];
	[tilespmem:s16+$0x10] =	vst v25;
	s15 =	smov.u32 s12  }
0xac: {  	v26 =	vmul.f32 $1.213629620e-06, v21;
	v15 =	vmul.f32 v23, v1;
	v24 =	vpop (erf);
	[tilespmem:s22+$0xFFFFFFF0] =	vst v18;
	v25 =	vld [tilespmem:s4+$0x0];
	s4 =	smov.u32 s8  }
.Ltmp1:
0xad: {  	v13 =	vmul.f32 $1.439964580e+01, v13;
	v18 =	vmul.f32 v35, v27;
	[tilespmem:s22+$0xFFFFFFE0] =	vst v12;
	v21 =	vld [tilespmem:s3+$0x0];
	s3 =	smov.u32 s0;
	(pc) =	sbr.rel @p0 .LBB2_5-.Ltmp1, $4  }
0xae: {  	v23 =	vmul.f32 $1.213629620e-06, v31;
	v12 =	vld [tilespmem:s0+$0xFFFFFFE0];
	[tilespmem:s19+$0xFFFFFFE0] =	vst v28;
	v28 =	vmul.f32 v15, v0  }
0xaf: {  	s31 =	sadd.s32 $0x40, s31;
	v30 =	vmul.f32 v46, v1;
	s30 =	sadd.s32 $0x40, s30;
	v34 =	vmul.f32 v41, v29;
	v1 =	vmovc v37;
	v15 =	vsel vm7, $0x0, v13;
	v13 =	vld [tilespmem:s0+$0x10];
	[tilespmem:s17+$0x10] =	vst v18  }
0xb0: {  	s9 =	sadd.s32 $0x40, s9;
	v29 =	vmul.f32 $1.439964580e+01, v23;
	s8 =	sadd.s32 $0x40, s8;
	v27 =	vsel vm6, $0x416664F3, v15;
	s0 =	sadd.s32 $0x40, s0;
	v15 =	vld [tilespmem:s4+$0xFFFFFFF0];
	[tilespmem:s19+$0xFFFFFFF0] =	vst v32;
	v28 =	vmul.f32 v28, v16  }
0xb1: {  	s11 =	sadd.s32 $0x40, s11;
	s10 =	sadd.s32 $0x40, s10;
	s12 =	sadd.s32 $0x40, s12;
	v23 =	vmul.f32 $1.213629620e-06, v34;
	v31 =	vmul.f32 v27, v5;
	v18 =	vld [tilespmem:s3+$0xFFFFFFF0];
	[tilespmem:s22+$0x10] =	vst v33  }
0xb2: {  	v16 =	vmul.f32 v28, v21;
	v0 =	vmul.f32 v30, v0  }
0xb3: {  	v26 =	vmul.f32 $1.439964580e+01, v26;
	v25 =	vmul.f32 v28, v25  }
0xb4: {  	v29 =	vsel vm5, $0x0, v29;
	v17 =	vmul.f32 v27, v17;
	v20 =	vmul.f32 v28, v20  }
0xb5: {  	v62 =	vld [tilespmem:s4+$0xFFFFFFE0];
	v60 =	vmul.f32 v31, v2;
	v61 =	vsel vm4, $0x416664F3, v29;
	v34 =	vmul.f32 $1.439964580e+01, v23  }
0xb6: {  	[tilespmem:s19+$0x10] =	vst v22;
	v29 =	vmul.f32 v61, v14;
	v26 =	vsel vm3, $0x0, v26;
	v19 =	vmul.f32 v61, v19  }
0xb7: {  	[tilespmem:s16+$0x0] =	vst v0;
	v5 =	vmul.f32 v17, v5;
	v11 =	vmul.f32 v60, v11;
	v63 =	vsel vm0, $0x416664F3, v26  }
0xb8: {  	[tilespmem:s17+$0x0] =	vst v25;
	v22 =	vmul.f32 v63, v7;
	v25 =	vmul.f32 v29, v3  }
0xb9: {  	v26 =	vmul.f32 v19, v14;
	[tilespmem:s22+$0x0] =	vst v16;
	v27 =	vmul.f32 v5, v2  }
0xba: {  	v8 =	vmul.f32 v63, v8;
	[tilespmem:s19+$0x0] =	vst v20;
	v30 =	vmul.f32 v11, v62  }
0xbb: {  	v29 =	vld [tilespmem:s15+$0xFFFFFFE0];
	v6 =	vmul.f32 v25, v6;
	[tilespmem:s1+$0xFFFFFFE0] =	vst v27;
	v33 =	vmul.f32 v26, v3  }
0xbc: {  	v35 =	vld [tilespmem:s4+$0x10];
	v40 =	vmul.f32 v11, v12;
	v32 =	vmul.f32 v8, v7;
	[tilespmem:s7+$0xFFFFFFE0] =	vst v30  }
0xbd: {  	v31 =	vld [tilespmem:s15+$0xFFFFFFF0];
	v0 =	vmul.f32 v22, v10;
	v36 =	vmul.f32 v6, v15;
	[tilespmem:s1+$0xFFFFFFF0] =	vst v33  }
0xbe: {  	v37 =	vmul.f32 v24, v24;
	v3 =	vsel vm1, $0x0, v34;
	v7 =	vmul.f32 v32, v10;
	[tilespmem:s20+$0xFFFFFFE0] =	vst v40  }
0xbf: {  	v39 =	vld [tilespmem:s15+$0x10];
	v3 =	vsel vm2, $0x416664F3, v3;
	v38 =	vmul.f32 v6, v18;
	v0 =	vmul.f32 v0, v9;
	[tilespmem:s7+$0xFFFFFFF0] =	vst v36  }
0xc0: {  	v41 =	vmul.f32 v3, v1;
	v5 =	vmul.f32 v11, v29;
	[tilespmem:s1+$0x10] =	vst v7  }
0xc1: {  	v42 =	vld [tilespmem:s4+$0x0];
	v3 =	vmul.f32 v3, v4;
	v8 =	vmul.f32 v0, v35;
	[tilespmem:s20+$0xFFFFFFF0] =	vst v38  }
0xc2: {  	v43 =	vld [tilespmem:s3+$0x0];
	v6 =	vmul.f32 v6, v31;
	v44 =	vmul.f32 v41, v24;
	[tilespmem:s21+$0xFFFFFFE0] =	vst v5  }
0xc3: {  	v46 =	vld [tilespmem:s15+$0x0];
	v45 =	vmul.f32 v0, v13;
	v47 =	vmul.f32 v3, v1;
	[tilespmem:s7+$0x10] =	vst v8  }
0xc4: {  	v0 =	vmul.f32 v0, v39;
	[tilespmem:s21+$0xFFFFFFF0] =	vst v6;
	v2 =	vmul.f32 v44, v37  }
0xc5: {  	v1 =	vmul.f32 v47, v24;
	[tilespmem:s20+$0x10] =	vst v45  }
0xc6: {  	v48 =	vmul.f32 v2, v42;
	[tilespmem:s21+$0x10] =	vst v0  }
0xc7: {  	v49 =	vmul.f32 v2, v43;
	[tilespmem:s1+$0x0] =	vst v1  }
0xc8: {  	v50 =	vmul.f32 v2, v46;
	[tilespmem:s7+$0x0] =	vst v48  }
0xc9: {  	[tilespmem:s20+$0x0] =	vst v49  }
0xca: {  	[tilespmem:s21+$0x0] =	vst v50  }
0xcb: {  	v0 =	vld [tilespmem:$0x19EC0];
	_ =	sdelay $0x4  }
0xcc: {  	v51 =	vmul.f32 v0, v0;
	_ =	sdelay $0x1  }
0xcd: {  	v52 =	vadd.f32 v51, v51  }
0xce: {  	v3 =	vld [tilespmem:$0x196C0]  }
0xcf: {  	v53 =	vld [tilespmem:$0x18EC0];
	v1 =	vsub.f32 $1.000000000e+02, v51;
	v2 =	vadd.f32 $1.000000000e+02, v52;
	_ =	sdelay $0x1  }
0xd0: {  	v1 =	vmul.f32 v1, v1;
	v2 =	vadd.f32 $-1.875000000e+01, v2;
	_ =	sdelay $0x1  }
0xd1: {  	(erf) = vrcp.f32 v0;
	v1 =	vmul.f32 v2, v1;
	_ =	sdelay $0x1  }
0xd2: {  	v1 =	vmul.f32 $1.213629620e-06, v1  }
0xd3: {  	v54 =	vld.idx.msk [tilespmem:v3+s6+$0x0], $0xffff  }
0xd4: {  	v55 =	vld.idx.msk [tilespmem:v53+s6+$0x0], $0xffff;
	v1 =	vmul.f32 $1.439964580e+01, v1  }
0xd5: {  	vm14 =	vgt.f32 v0, $1.000000000e+01  }
0xd6: {  	vm15 =	vlt.f32 v0, $2.500000000e+00;
	v56 =	vsel vm14, $0x0, v1  }
0xd7: {  	v0 =	vsel vm15, $0x416664F3, v56  }
0xd8: {  	v57 =	vmul.f32 v0, v54  }
0xd9: {  	v58 =	vld [tilespmem:$0x1BEC0];
	v59 =	vpop (erf);
	v0 =	vmul.f32 v0, v55  }
0xda: {  	v60 =	vld [tilespmem:$0x1C6C0];
	v61 =	vmul.f32 v59, v59;
	v1 =	vmul.f32 v57, v59  }
0xdb: {  	v7 =	vld [tilespmem:$0x1CEC0];
	v0 =	vmul.f32 v0, v54  }
0xdc: {  	v1 =	vmul.f32 v1, v61  }
0xdd: {  	v0 =	vmul.f32 v0, v59  }
0xde: {  	v62 =	vmul.f32 v1, v58  }
0xdf: {  	[tilespmem:$0x1D6C0] =	vst v0;
	v63 =	vmul.f32 v1, v60  }
0xe0: {  	v1 =	vmul.f32 v1, v7;
	[tilespmem:$0x1DEC0] =	vst v62  }
0xe1: {  	s0 =	rddreg [dreg:$0x7];
	[tilespmem:$0x1E6C0] =	vst v63  }
0xe2: {  	s21 =	simm.s32 $0x1CF00;
	s0 =	sadd.s32 s0, s13;
	[tilespmem:$0x1EEC0] =	vst v1  }
0xe3: {  	[hbm4b:s0+s6] =	stream.linear.scatter [tilespmem:s21], [sflag:$0x4], $0x7D0, $0x38;
	[tilespmem:$0x1EF00] =	vst v63  }
0xe4: {  	_ =	swait.ge [sflag:s14], $0x7D0  }
0xe5: {  	[sflag:s14] =	ssyncset.done $0x0;
	s22 =	rddreg [dreg:$0x8]  }
0xe6: {  	s23 =	simm.s32 $0x1D700;
	[sflag:s14] =	ssyncadd.s32 $0xFFFFF830;
	s0 =	sadd.s32 s22, s13  }
0xe7: {  	[hbm4b:s0+s6] =	stream.linear.scatter [tilespmem:s23], [sflag:$0x4], $0x7D0, $0x38;
	[tilespmem:$0x1EF00] =	vst v63  }
0xe8: {  	_ =	swait.ge [sflag:s14], $0x7D0  }
0xe9: {  	[sflag:s14] =	ssyncset.done $0x0;
	s24 =	rddreg [dreg:$0x9]  }
0xea: {  	s29 =	simm.s32 $0x1DF00;
	[sflag:s14] =	ssyncadd.s32 $0xFFFFF830;
	s0 =	sadd.s32 s24, s13  }
0xeb: {  	[hbm4b:s0+s6] =	stream.linear.scatter [tilespmem:s29], [sflag:$0x4], $0x7D0, $0x38;
	[tilespmem:$0x1EF00] =	vst v63  }
0xec: {  	s31 =	simm.s32 $0x1E700;
	s2 =	sadd.s32 $0x1, s2;
	_ =	swait.ge [sflag:s14], $0x7D0  }
0xed: {  	p0 =	sne.s32 s2, $0x64;
	[sflag:s14] =	ssyncset.done $0x0;
	s30 =	rddreg [dreg:$0xa]  }
.Ltmp2:
0xee: {  	[sflag:s14] =	ssyncadd.s32 $0xFFFFF830;
	s0 =	sadd.s32 s30, s13;
	(pc) =	sbr.rel @p0 .LBB2_2-.Ltmp2, $4  }
0xef: {  	[hbm4b:s0+s6] =	stream.linear.scatter [tilespmem:s31], [sflag:$0x4], $0x7D0, $0x38;
	[tilespmem:$0x1EF00] =	vst v63  }
0xf0: {  	_ =	swait.ge [sflag:s14], $0x7D0  }
0xf1: {  	[sflag:s14] =	ssyncset.done $0x0  }
0xf2: {  	[sflag:s14] =	ssyncadd.s32 $0xFFFFF830  }
0xf3: {  	s1 =	rddreg [dreg:$0xd]  }
0xf4: {  	s0 =	rddreg [dreg:$0xc];
	s1 =	sadd.s32 $0x1, s1  }
0xf5: {  	p0 =	sne.s32 s1, s0  }
.Ltmp3:
0xf6: {  	_ = 	snop;
	(pc) =	sbr.rel @p0 .LBB2_1-.Ltmp3, $1  }
0xf7: {  	_ =	sdelay $0x3  }
0xf8: {  	_ =	sfence.sel $0x180000  }
0xf9: {  	[bflag:$0x0] =	sbarrier.arrive $0xFFFF  }
0xfa: {  	_ =	strace $0x90000047  }
0xfb: {  	s0 =	stileid.u32;
	[bflag:$0x2] =	sbarrier.arrive $0xFFFF  }
0xfc: {  	p0 =	sne.s32 s0, $0x0;
	s0 =	rddreg [dreg:$0x6]  }
0xfd: {  	s0 =	sadd.s32 @!p0 $0x100000, s0  }
0xfe: {  	[sflag:s0] =	ssyncadd.tile.s32 @!p0 $0x1;
	_ =	shalt  }
.Lfunc_end2:
_tile_overlayer_lowered:
.L_overlay_start_2:
0xff: {  	(tag) =	ssettag $0x2  }
0x100: {  	s0 =	rddreg [dreg:$0x0];
	s2 =	stileid.u32  }
0x101: {  	s1 =	rddreg [dreg:$0x1];
	p0 =	sne.s32 s2, $0x0  }
0x102: {  	s3 =	rddreg [dreg:$0x2];
	[bflag:$0x3] =	sbarrier.arrive $0xFFFF;
	s2 =	simm.s32 @!p0 $0x1C04  }
0x103: {  	[timem:s3], [sflag:s2] =	dma.local @!p0 [hbm:s0], s1  }
0x104: {  	s0 =	simm.s32 @!p0 $0x4  }
0x105: {  	_ =	swait.ge @!p0 [sflag:s0], s1  }
0x106: {  	s1 =	ssub.s32 @!p0 $0x0, s1;
	[sflag:s0] =	ssyncset.done @!p0 $0x0  }
0x107: {  	[sflag:s0] =	ssyncadd.s32 @!p0 s1  }
0x108: {  	[bflag:$0x3] =	sbarrier.arrive $0xFFFF  }
0x109: {  	_ =	shalt  }

</sc_bundles>
